<compile_context>
chip_gen: v7x
topology: tpu7x:2x2x1
jax: 0.10.2.dev20260603
libtpu: 0.0.44.dev20260713+nightly
codegen_flags: <defaults>
</compile_context>

<pallas_src>
import functools

import jax
import jax.numpy as jnp
from jax import lax
from jax.experimental import pallas as pl
from jax.experimental.pallas import tpu as pltpu
from jax.experimental.pallas import tpu_sc as plsc

D = 256
HID = 256
N_NODES = 10000
N_EDGES = 160000

NC = 2
NS = 16
NW = NC * NS

PACK = HID // 2
CHUNK = 128
E_SPLIT = (20480, 61440, 78080)
SEG_SPLIT = (20480, 61440, 81920)
NBUF = 2
LOOK = 1

EDGE_BLK = 1280
NODE_BLK = 1000


def _bf16_bits_hi(x):
    r = x.astype(jnp.bfloat16).astype(jnp.float32)
    return lax.bitcast_convert_type(r, jnp.uint32)


def _proj_body(n_ref, w_ref, out_ref):
    h = jnp.dot(n_ref[...], w_ref[0], preferred_element_type=jnp.float32)
    lo = jnp.right_shift(_bf16_bits_hi(h[:, :PACK]), jnp.uint32(16))
    hi = jnp.bitwise_and(_bf16_bits_hi(h[:, PACK:]), jnp.uint32(0xFFFF0000))
    out_ref[...] = lax.bitcast_convert_type(jnp.bitwise_or(lo, hi),
                                            jnp.float32)


def _node_projections(nfeat, w1_sd):
    grid = (2, N_NODES // NODE_BLK)
    return pl.pallas_call(
        _proj_body,
        grid=grid,
        in_specs=[
            pl.BlockSpec((NODE_BLK, D), lambda s, j: (j, 0)),
            pl.BlockSpec((1, D, HID), lambda s, j: (s, 0, 0)),
        ],
        out_specs=pl.BlockSpec((NODE_BLK, PACK),
                               lambda s, j: (s * (N_NODES // NODE_BLK) + j, 0)),
        out_shape=jax.ShapeDtypeStruct((2 * N_NODES, PACK), jnp.float32),
    )(nfeat, w1_sd)


@functools.cache
def _make_sc_gather(cpw):
    total = cpw * CHUNK * NW

    @functools.partial(
        pl.kernel,
        mesh=plsc.VectorSubcoreMesh(core_axis_name="c", subcore_axis_name="s"),
        out_type=jax.ShapeDtypeStruct((total, PACK), jnp.float32),
        scratch_types=[
            pltpu.VMEM((cpw * CHUNK,), jnp.int32),
            pltpu.VMEM_SHARED((N_NODES, PACK), jnp.float32),
        ] + [pltpu.VMEM((CHUNK, PACK), jnp.float32) for _ in range(NBUF)]
          + [pltpu.SemaphoreType.DMA for _ in range(2 * NBUF)],
    )
    def _sc_gather(table_hbm, idx_hbm, out_hbm, idx_v, tbl_sp,
                   *bufs_and_sems):
        bufs = bufs_and_sems[:NBUF]
        gsems = bufs_and_sems[NBUF:2 * NBUF]
        ssems = bufs_and_sems[2 * NBUF:]
        cc = lax.axis_index("c")
        sid = lax.axis_index("s")
        wid = cc * NS + sid
        base = wid * cpw

        half = N_NODES // 2
        tbl_base = pl.multiple_of(cc * N_NODES, 8)
        for k in range(2):
            @pl.when(sid == k)
            def _():
                pltpu.sync_copy(
                    table_hbm.at[pl.ds(tbl_base + k * half, half)],
                    tbl_sp.at[pl.ds(k * half, half)])
        pltpu.sync_copy(idx_hbm.at[pl.ds(base * CHUNK, cpw * CHUNK)], idx_v)
        plsc.subcore_barrier()

        def out_at(c):
            return out_hbm.at[pl.ds((base + c) * CHUNK, CHUNK)]

        def idx_at(c):
            return idx_v.at[pl.ds(pl.multiple_of(c * CHUNK, CHUNK), CHUNK)]

        for k in range(LOOK):
            pltpu.async_copy(tbl_sp.at[idx_at(k)], bufs[k], gsems[k])

        def body(jo, carry):
            for b in range(NBUF):
                c = jo * NBUF + b
                bn = (b + LOOK) % NBUF
                cn = jnp.minimum(c + LOOK, cpw - 1)
                cp = jnp.maximum(c - (NBUF - LOOK), 0)

                @pl.when(c >= NBUF - LOOK)
                def _():
                    pltpu.make_async_copy(bufs[bn], out_at(cp),
                                          ssems[bn]).wait()

                @pl.when(c + LOOK < cpw)
                def _():
                    pltpu.async_copy(tbl_sp.at[idx_at(cn)], bufs[bn],
                                     gsems[bn])

                pltpu.make_async_copy(tbl_sp.at[idx_at(c)], bufs[b],
                                      gsems[b]).wait()
                pltpu.async_copy(bufs[b], out_at(c), ssems[b])
            return carry

        lax.fori_loop(0, cpw // NBUF, body, 0)

        for k in range(NBUF - LOOK):
            c = cpw - (NBUF - LOOK) + k
            pltpu.make_async_copy(bufs[c % NBUF], out_at(c),
                                  ssems[c % NBUF]).wait()

    return _sc_gather


def _unpack_halves(words_f32):
    w = lax.bitcast_convert_type(words_f32, jnp.uint32)
    lo = lax.bitcast_convert_type(
        jnp.left_shift(w, jnp.uint32(16)), jnp.float32)
    hi = lax.bitcast_convert_type(
        jnp.bitwise_and(w, jnp.uint32(0xFFFF0000)), jnp.float32)
    return lo, hi


def _edge_body(e_ref, gs_ref, gd_ref, w1e_ref, w2a_ref, w2b_ref, b1_ref,
               b2_ref, sc_ref, bi_ref, out_ref):
    x = e_ref[...]
    gsa, gsb = _unpack_halves(gs_ref[...])
    gda, gdb = _unpack_halves(gd_ref[...])
    h1 = jnp.dot(x.astype(jnp.bfloat16), w1e_ref[...],
                 preferred_element_type=jnp.float32)
    h1a = h1[:, :PACK] + gsa + gda + b1_ref[:, :PACK]
    h1b = h1[:, PACK:] + gsb + gdb + b1_ref[:, PACK:]
    h1a = h1a * jax.nn.sigmoid(h1a)
    h1b = h1b * jax.nn.sigmoid(h1b)
    h = jnp.dot(h1a.astype(jnp.bfloat16), w2a_ref[...],
                preferred_element_type=jnp.float32)
    h = h + jnp.dot(h1b.astype(jnp.bfloat16), w2b_ref[...],
                    preferred_element_type=jnp.float32)
    h = h + b2_ref[...]
    mean = jnp.mean(h, axis=-1, keepdims=True)
    c = h - mean
    var = jnp.mean(c * c, axis=-1, keepdims=True)
    out_ref[...] = c * lax.rsqrt(var + 1e-5) * sc_ref[...] + bi_ref[...] + x


def _edge_body_alias(prev_ref, *rest):
    _edge_body(*rest)


def _edge_mlp(efeat, gathered, w1e_bf, w2a_bf, w2b_bf, b1, b2,
              ln_scale, ln_bias, n_edges, blk_off, seg, prev=None):
    grid = (n_edges // EDGE_BLK,)
    full = lambda i: (0, 0)
    in_specs = [
        pl.BlockSpec((EDGE_BLK, D), lambda i: (i + blk_off, 0)),
        pl.BlockSpec((EDGE_BLK, PACK), lambda i: (i, 0)),
        pl.BlockSpec((EDGE_BLK, PACK), lambda i: (i + seg // EDGE_BLK, 0)),
        pl.BlockSpec((D, HID), full),
        pl.BlockSpec((PACK, D), full),
        pl.BlockSpec((PACK, D), full),
        pl.BlockSpec((1, HID), full),
        pl.BlockSpec((1, D), full),
        pl.BlockSpec((1, D), full),
        pl.BlockSpec((1, D), full),
    ]
    args = (efeat, gathered, gathered, w1e_bf, w2a_bf, w2b_bf, b1, b2,
            ln_scale, ln_bias)
    body = _edge_body
    aliases = {}
    if prev is not None:
        in_specs = [pl.BlockSpec((8, D), full)] + in_specs
        args = (prev,) + args
        body = _edge_body_alias
        aliases = {0: 0}
    return pl.pallas_call(
        body,
        grid=grid,
        in_specs=in_specs,
        out_specs=pl.BlockSpec((EDGE_BLK, D), lambda i: (i + blk_off, 0)),
        out_shape=jax.ShapeDtypeStruct((N_EDGES, D), jnp.float32),
        input_output_aliases=aliases,
    )(*args)


def kernel(efeat, nfeat, edge_index, w1, b1, w2, b2, ln_scale, ln_bias):
    src = edge_index[0].astype(jnp.int32)
    dst = edge_index[1].astype(jnp.int32)

    w1e_bf = w1[:D].astype(jnp.bfloat16)
    w2a_bf = w2[:PACK].astype(jnp.bfloat16)
    w2b_bf = w2[PACK:].astype(jnp.bfloat16)
    w1_sd = jnp.stack([w1[D:2 * D], w1[2 * D:]])

    packed = _node_projections(nfeat, w1_sd)

    b1r = b1.reshape(1, HID)
    b2r = b2.reshape(1, D)
    scr = ln_scale.reshape(1, D)
    bir = ln_bias.reshape(1, D)

    gathers = []
    e0 = 0
    for n_e, seg in zip(E_SPLIT, SEG_SPLIT):
        s_sl = src[e0:e0 + n_e]
        d_sl = dst[e0:e0 + n_e]
        if n_e == seg:
            idx = jnp.concatenate([s_sl, d_sl])
        else:
            idx = jnp.zeros((2 * seg,), jnp.int32)
            idx = idx.at[:n_e].set(s_sl)
            idx = idx.at[seg:seg + n_e].set(d_sl)
        gathers.append(_make_sc_gather(2 * seg // CHUNK // NW)(packed, idx))
        e0 += n_e

    out = None
    e0 = 0
    for (n_e, seg), gathered in zip(zip(E_SPLIT, SEG_SPLIT), gathers):
        out = _edge_mlp(efeat, gathered, w1e_bf, w2a_bf, w2b_bf,
                        b1r, b2r, scr, bir, n_e, e0 // EDGE_BLK, seg,
                        prev=out)
        e0 += n_e
    return (out, nfeat)

# --- scband reference (transcript-rebuilt; emitter-appended) ---
"""Pipeline reference for scband-mesh-edge-block-21114059227474 (READ-ONLY COPY).

The authoritative reference and input builder live on the scoring server;
editing this copy changes nothing except your own understanding.
"""

import jax, jax.numpy as jnp
import numpy as np

D = 256
HID = 256
N_NODES = 10000
N_EDGES = 160000


def setup_inputs(seed: int = 0) -> dict:
    key = jax.random.key(seed)
    k1, k2, k3, k4, k5 = jax.random.split(key, 5)
    efeat = jax.random.normal(k1, (N_EDGES, D), dtype=jnp.float32)
    nfeat = jax.random.normal(k2, (N_NODES, D), dtype=jnp.float32)
    edge_index = jax.random.randint(k3, (2, N_EDGES), 0, N_NODES, dtype=jnp.int64)
    in_dim = D + D + D  # concat(efeat, src, dst)
    w1 = jax.random.normal(k4, (in_dim, HID), dtype=jnp.float32) * (1.0 / np.sqrt(in_dim))
    b1 = jnp.zeros((HID,), dtype=jnp.float32)
    w2 = jax.random.normal(k5, (HID, D), dtype=jnp.float32) * (1.0 / np.sqrt(HID))
    b2 = jnp.zeros((D,), dtype=jnp.float32)
    ln_scale = jnp.ones((D,), dtype=jnp.float32)
    ln_bias = jnp.zeros((D,), dtype=jnp.float32)
    return {"efeat": efeat, "nfeat": nfeat, "edge_index": edge_index,
            "w1": w1, "b1": b1, "w2": w2, "b2": b2,
            "ln_scale": ln_scale, "ln_bias": ln_bias}


def _layernorm(x, scale, bias, eps=1e-5):
    mean = jnp.mean(x, axis=-1, keepdims=True)
    var = jnp.var(x, axis=-1, keepdims=True)
    return (x - mean) * jax.lax.rsqrt(var + eps) * scale + bias


def reference(efeat, nfeat, edge_index, w1, b1, w2, b2, ln_scale, ln_bias):
    # MeshGraphEdgeMLPConcat: cat(efeat, nfeat[src], nfeat[dst]) -> MLP -> LayerNorm
    src = edge_index[0]
    dst = edge_index[1]
    src_feat = jnp.take(nfeat, src, axis=0)
    dst_feat = jnp.take(nfeat, dst, axis=0)
    cat = jnp.concatenate([efeat, src_feat, dst_feat], axis=-1)
    h = jax.nn.silu(cat @ w1 + b1)
    h = h @ w2 + b2
    h = _layernorm(h, ln_scale, ln_bias)
    efeat_new = h + efeat  # residual in MeshEdgeBlock.forward
    return (efeat_new, nfeat)

if __name__ == "__main__":
    import jax
    _d = setup_inputs()
    print(jax.jit(kernel)(*tuple(_d.values())))

</pallas_src>

<mosaic_0001>
#map = affine_map<(d0, d1) -> (0, 0)>
#map1 = affine_map<(d0, d1) -> (0)>
module attributes {stable_mosaic.version = 14 : i64} {
  func.func @_sc_gather(%arg0: i32, %arg1: i32, %arg2: memref<20000x128xf32, #tpu.memory_space<hbm>>, %arg3: memref<40960xi32, #tpu.memory_space<hbm>>, %arg4: memref<40960x128xf32, #tpu.memory_space<hbm>>, %arg5: memref<1280xi32, #tpu.memory_space<vmem>>, %arg6: memref<10000x128xf32, #tpu.memory_space<vmem_shared>>, %arg7: memref<128x128xf32, #tpu.memory_space<vmem>>, %arg8: memref<128x128xf32, #tpu.memory_space<vmem>>, %arg9: memref<!tpu.dma_semaphore, #tpu.memory_space<semaphore_mem>>, %arg10: memref<!tpu.dma_semaphore, #tpu.memory_space<semaphore_mem>>, %arg11: memref<!tpu.dma_semaphore, #tpu.memory_space<semaphore_mem>>, %arg12: memref<!tpu.dma_semaphore, #tpu.memory_space<semaphore_mem>>) attributes {dimension_semantics = [#tpu.dimension_semantics<core_parallel>, #tpu.dimension_semantics<subcore_parallel>], iteration_bounds = array<i64: 2, 16>, scalar_prefetch = 0 : i64, scratch_operands = 8 : i64, tpu.core_type = #tpu.core_type<sc_vector_subcore>, window_params = [{transform_indices = #map}, {transform_indices = #map1}, {transform_indices = #map}]} {
    %mul3A = arith.constant 16 : i32
    %mul3A_0 = arith.muli %arg0, %mul3A : i32
    %add3A = arith.addi %mul3A_0, %arg1 : i32
    %mul3A_1 = arith.constant 10 : i32
    %mul3A_2 = arith.muli %add3A, %mul3A_1 : i32
    %mul3A_3 = arith.constant 10000 : i32
    %mul3A_4 = arith.muli %arg0, %mul3A_3 : i32
    %multiple_of3A = tpu.assume_multiple %mul3A_4, 8 : i32
    %eq3A = arith.constant 0 : i32
    %eq3A_5 = arith.cmpi eq, %arg1, %eq3A : i32
    %convert_element_type3A = arith.extui %eq3A_5 : i1 to i32
    %cond3A = arith.constant 0 : i32
    %cond3A_6 = arith.cmpi ne, %convert_element_type3A, %cond3A : i32
    scf.if %cond3A_6 {
      %add3A_31 = arith.constant 0 : i32
      %add3A_32 = arith.addi %multiple_of3A, %add3A_31 : i32
      "tpu.region"() ({
        %run_scoped3A = tpu.sem_alloc : memref<!tpu.dma_semaphore, #tpu.memory_space<semaphore_mem>>
        %dma_start3A_33 = arith.constant 0 : i32
        %dma_start3A_34 = arith.constant 0 : i32
        %dma_start3A_35 = tpu.memref_slice %arg6[%dma_start3A_33, %dma_start3A_34] : memref<10000x128xf32, #tpu.memory_space<vmem_shared>> -> memref<5000x128xf32, #tpu.memory_space<vmem_shared>>
        %dma_start3A_36 = arith.constant 0 : i32
        %dma_start3A_37 = tpu.memref_slice %arg2[%add3A_32, %dma_start3A_36] : memref<20000x128xf32, #tpu.memory_space<hbm>> -> memref<5000x128xf32, #tpu.memory_space<hbm>>
        tpu.enqueue_dma source(%dma_start3A_37 : memref<5000x128xf32, #tpu.memory_space<hbm>>) target(%dma_start3A_35 : memref<5000x128xf32, #tpu.memory_space<vmem_shared>>) target_semaphore(%run_scoped3A : memref<!tpu.dma_semaphore, #tpu.memory_space<semaphore_mem>>)
        %dma_wait3A_38 = arith.constant 0 : i32
        %dma_wait3A_39 = arith.constant 0 : i32
        %dma_wait3A_40 = tpu.memref_slice %arg6[%dma_wait3A_38, %dma_wait3A_39] : memref<10000x128xf32, #tpu.memory_space<vmem_shared>> -> memref<5000x128xf32, #tpu.memory_space<vmem_shared>>
        %dma_wait3A_41 = arith.constant 0 : i32
        %dma_wait3A_42 = tpu.memref_slice %arg2[%add3A_32, %dma_wait3A_41] : memref<20000x128xf32, #tpu.memory_space<hbm>> -> memref<5000x128xf32, #tpu.memory_space<hbm>>
        tpu.wait_dma2 semaphore(%run_scoped3A : memref<!tpu.dma_semaphore, #tpu.memory_space<semaphore_mem>>) src(%dma_wait3A_42 : memref<5000x128xf32, #tpu.memory_space<hbm>>) dst(%dma_wait3A_40 : memref<5000x128xf32, #tpu.memory_space<vmem_shared>>)
        tpu.yield
      }) : () -> ()
    } else {
    }
    %eq3A_7 = arith.constant 1 : i32
    %eq3A_8 = arith.cmpi eq, %arg1, %eq3A_7 : i32
    %convert_element_type3A_9 = arith.extui %eq3A_8 : i1 to i32
    %cond3A_10 = arith.constant 0 : i32
    %cond3A_11 = arith.cmpi ne, %convert_element_type3A_9, %cond3A_10 : i32
    scf.if %cond3A_11 {
      %add3A_31 = arith.constant 5000 : i32
      %add3A_32 = arith.addi %multiple_of3A, %add3A_31 : i32
      "tpu.region"() ({
        %run_scoped3A = tpu.sem_alloc : memref<!tpu.dma_semaphore, #tpu.memory_space<semaphore_mem>>
        %dma_start3A_33 = arith.constant 5000 : i32
        %dma_start3A_34 = arith.constant 0 : i32
        %dma_start3A_35 = tpu.memref_slice %arg6[%dma_start3A_33, %dma_start3A_34] : memref<10000x128xf32, #tpu.memory_space<vmem_shared>> -> memref<5000x128xf32, #tpu.memory_space<vmem_shared>>
        %dma_start3A_36 = arith.constant 0 : i32
        %dma_start3A_37 = tpu.memref_slice %arg2[%add3A_32, %dma_start3A_36] : memref<20000x128xf32, #tpu.memory_space<hbm>> -> memref<5000x128xf32, #tpu.memory_space<hbm>>
        tpu.enqueue_dma source(%dma_start3A_37 : memref<5000x128xf32, #tpu.memory_space<hbm>>) target(%dma_start3A_35 : memref<5000x128xf32, #tpu.memory_space<vmem_shared>>) target_semaphore(%run_scoped3A : memref<!tpu.dma_semaphore, #tpu.memory_space<semaphore_mem>>)
        %dma_wait3A_38 = arith.constant 5000 : i32
        %dma_wait3A_39 = arith.constant 0 : i32
        %dma_wait3A_40 = tpu.memref_slice %arg6[%dma_wait3A_38, %dma_wait3A_39] : memref<10000x128xf32, #tpu.memory_space<vmem_shared>> -> memref<5000x128xf32, #tpu.memory_space<vmem_shared>>
        %dma_wait3A_41 = arith.constant 0 : i32
        %dma_wait3A_42 = tpu.memref_slice %arg2[%add3A_32, %dma_wait3A_41] : memref<20000x128xf32, #tpu.memory_space<hbm>> -> memref<5000x128xf32, #tpu.memory_space<hbm>>
        tpu.wait_dma2 semaphore(%run_scoped3A : memref<!tpu.dma_semaphore, #tpu.memory_space<semaphore_mem>>) src(%dma_wait3A_42 : memref<5000x128xf32, #tpu.memory_space<hbm>>) dst(%dma_wait3A_40 : memref<5000x128xf32, #tpu.memory_space<vmem_shared>>)
        tpu.yield
      }) : () -> ()
    } else {
    }
    %mul3A_12 = arith.constant 128 : i32
    %mul3A_13 = arith.muli %mul3A_2, %mul3A_12 : i32
    "tpu.region"() ({
      %run_scoped3A = tpu.sem_alloc : memref<!tpu.dma_semaphore, #tpu.memory_space<semaphore_mem>>
      %dma_start3A_31 = tpu.memref_slice %arg3[%mul3A_13] : memref<40960xi32, #tpu.memory_space<hbm>> -> memref<1280xi32, #tpu.memory_space<hbm>>
      %dma_start3A_32 = tpu.memref_slice %arg3[%mul3A_13] : memref<40960xi32, #tpu.memory_space<hbm>> -> memref<1280xi32, #tpu.memory_space<hbm>>
      tpu.enqueue_dma source(%dma_start3A_32 : memref<1280xi32, #tpu.memory_space<hbm>>) target(%arg5 : memref<1280xi32, #tpu.memory_space<vmem>>) target_semaphore(%run_scoped3A : memref<!tpu.dma_semaphore, #tpu.memory_space<semaphore_mem>>)
      %dma_wait3A_33 = tpu.memref_slice %arg3[%mul3A_13] : memref<40960xi32, #tpu.memory_space<hbm>> -> memref<1280xi32, #tpu.memory_space<hbm>>
      %dma_wait3A_34 = tpu.memref_slice %arg3[%mul3A_13] : memref<40960xi32, #tpu.memory_space<hbm>> -> memref<1280xi32, #tpu.memory_space<hbm>>
      tpu.wait_dma2 semaphore(%run_scoped3A : memref<!tpu.dma_semaphore, #tpu.memory_space<semaphore_mem>>) src(%dma_wait3A_34 : memref<1280xi32, #tpu.memory_space<hbm>>) dst(%arg5 : memref<1280xi32, #tpu.memory_space<vmem>>)
      tpu.yield
    }) : () -> ()
    %barrier3A = arith.constant 0 : index
    tpu.barrier barrier_id(%barrier3A)
    %multiple_of3A_14 = arith.constant 0 : i32
    %multiple_of3A_15 = tpu.assume_multiple %multiple_of3A_14, 128 : i32
    %dma_start3A = tpu.memref_slice %arg5[%multiple_of3A_15] : memref<1280xi32, #tpu.memory_space<vmem>> -> memref<128xi32, #tpu.memory_space<vmem>>
    %dma_start3A_16 = arith.constant 0 : i32
    %dma_start3A_17 = arith.constant 0 : i32
    %dma_start3A_18 = tpu.memref_slice %arg6[%dma_start3A_16, %dma_start3A_17] : memref<10000x128xf32, #tpu.memory_space<vmem_shared>> -> memref<10000x128xf32, #tpu.memory_space<vmem_shared>>
    tpu.enqueue_indirect_dma source(%dma_start3A_18 : memref<10000x128xf32, #tpu.memory_space<vmem_shared>>) target(%arg7 : memref<128x128xf32, #tpu.memory_space<vmem>>) offsets(%dma_start3A : memref<128xi32, #tpu.memory_space<vmem>>) semaphore(%arg9 : memref<!tpu.dma_semaphore, #tpu.memory_space<semaphore_mem>>)
    %scan3A = arith.constant 0 : i32
    %scan3A_19 = arith.constant 0 : i32
    %scan3A_20 = arith.constant 5 : i32
    %scan3A_21 = arith.addi %scan3A_19, %scan3A_20 : i32
    %scan3A_22 = arith.constant 1 : i32
    scf.for %scan3A_31 = %scan3A_19 to %scan3A_21 step %scan3A_22  : i32 {
      %mul3A_32 = arith.constant 2 : i32
      %mul3A_33 = arith.muli %scan3A_31, %mul3A_32 : i32
      %add3A_34 = arith.constant 0 : i32
      %add3A_35 = arith.addi %mul3A_33, %add3A_34 : i32
      %add3A_36 = arith.constant 1 : i32
      %add3A_37 = arith.addi %add3A_35, %add3A_36 : i32
      %min3A = arith.constant 9 : i32
      %min3A_38 = arith.minsi %add3A_37, %min3A : i32
      %sub3A = arith.constant 1 : i32
      %sub3A_39 = arith.subi %add3A_35, %sub3A : i32
      %max3A = arith.constant 0 : i32
      %max3A_40 = arith.maxsi %sub3A_39, %max3A : i32
      %ge3A = arith.constant 1 : i32
      %ge3A_41 = arith.cmpi sge, %add3A_35, %ge3A : i32
      %convert_element_type3A_42 = arith.extui %ge3A_41 : i1 to i32
      %cond3A_43 = arith.constant 0 : i32
      %cond3A_44 = arith.cmpi ne, %convert_element_type3A_42, %cond3A_43 : i32
      scf.if %cond3A_44 {
        %add3A_103 = arith.addi %mul3A_2, %max3A_40 : i32
        %mul3A_104 = arith.constant 128 : i32
        %mul3A_105 = arith.muli %add3A_103, %mul3A_104 : i32
        %dma_wait3A_106 = arith.constant 0 : i32
        %dma_wait3A_107 = tpu.memref_slice %arg4[%mul3A_105, %dma_wait3A_106] : memref<40960x128xf32, #tpu.memory_space<hbm>> -> memref<128x128xf32, #tpu.memory_space<hbm>>
        %dma_wait3A_108 = arith.constant 0 : i32
        %dma_wait3A_109 = tpu.memref_slice %arg4[%mul3A_105, %dma_wait3A_108] : memref<40960x128xf32, #tpu.memory_space<hbm>> -> memref<128x128xf32, #tpu.memory_space<hbm>>
        tpu.wait_dma2 semaphore(%arg12 : memref<!tpu.dma_semaphore, #tpu.memory_space<semaphore_mem>>) src(%arg8 : memref<128x128xf32, #tpu.memory_space<vmem>>) dst(%dma_wait3A_109 : memref<128x128xf32, #tpu.memory_space<hbm>>)
      } else {
      }
      %add3A_45 = arith.constant 1 : i32
      %add3A_46 = arith.addi %add3A_35, %add3A_45 : i32
      %lt3A = arith.constant 10 : i32
      %lt3A_47 = arith.cmpi slt, %add3A_46, %lt3A : i32
      %convert_element_type3A_48 = arith.extui %lt3A_47 : i1 to i32
      %cond3A_49 = arith.constant 0 : i32
      %cond3A_50 = arith.cmpi ne, %convert_element_type3A_48, %cond3A_49 : i32
      scf.if %cond3A_50 {
        %mul3A_103 = arith.constant 128 : i32
        %mul3A_104 = arith.muli %min3A_38, %mul3A_103 : i32
        %multiple_of3A_105 = tpu.assume_multiple %mul3A_104, 128 : i32
        %dma_start3A_106 = tpu.memref_slice %arg5[%multiple_of3A_105] : memref<1280xi32, #tpu.memory_space<vmem>> -> memref<128xi32, #tpu.memory_space<vmem>>
        %dma_start3A_107 = arith.constant 0 : i32
        %dma_start3A_108 = arith.constant 0 : i32
        %dma_start3A_109 = tpu.memref_slice %arg6[%dma_start3A_107, %dma_start3A_108] : memref<10000x128xf32, #tpu.memory_space<vmem_shared>> -> memref<10000x128xf32, #tpu.memory_space<vmem_shared>>
        tpu.enqueue_indirect_dma source(%dma_start3A_109 : memref<10000x128xf32, #tpu.memory_space<vmem_shared>>) target(%arg8 : memref<128x128xf32, #tpu.memory_space<vmem>>) offsets(%dma_start3A_106 : memref<128xi32, #tpu.memory_space<vmem>>) semaphore(%arg10 : memref<!tpu.dma_semaphore, #tpu.memory_space<semaphore_mem>>)
      } else {
      }
      %mul3A_51 = arith.constant 128 : i32
      %mul3A_52 = arith.muli %add3A_35, %mul3A_51 : i32
      %multiple_of3A_53 = tpu.assume_multiple %mul3A_52, 128 : i32
      %dma_wait3A_54 = tpu.memref_slice %arg5[%multiple_of3A_53] : memref<1280xi32, #tpu.memory_space<vmem>> -> memref<128xi32, #tpu.memory_space<vmem>>
      %dma_wait3A_55 = arith.constant 0 : i32
      %dma_wait3A_56 = arith.constant 0 : i32
      %dma_wait3A_57 = tpu.memref_slice %arg6[%dma_wait3A_55, %dma_wait3A_56] : memref<10000x128xf32, #tpu.memory_space<vmem_shared>> -> memref<10000x128xf32, #tpu.memory_space<vmem_shared>>
      tpu.wait_indirect_dma semaphore(%arg9 : memref<!tpu.dma_semaphore, #tpu.memory_space<semaphore_mem>>) src(%dma_wait3A_57 : memref<10000x128xf32, #tpu.memory_space<vmem_shared>>) dst(%arg7 : memref<128x128xf32, #tpu.memory_space<vmem>>)
      %add3A_58 = arith.addi %mul3A_2, %add3A_35 : i32
      %mul3A_59 = arith.constant 128 : i32
      %mul3A_60 = arith.muli %add3A_58, %mul3A_59 : i32
      %dma_start3A_61 = arith.constant 0 : i32
      %dma_start3A_62 = tpu.memref_slice %arg4[%mul3A_60, %dma_start3A_61] : memref<40960x128xf32, #tpu.memory_space<hbm>> -> memref<128x128xf32, #tpu.memory_space<hbm>>
      %dma_start3A_63 = arith.constant 0 : i32
      %dma_start3A_64 = tpu.memref_slice %arg4[%mul3A_60, %dma_start3A_63] : memref<40960x128xf32, #tpu.memory_space<hbm>> -> memref<128x128xf32, #tpu.memory_space<hbm>>
      tpu.enqueue_dma source(%arg7 : memref<128x128xf32, #tpu.memory_space<vmem>>) target(%dma_start3A_64 : memref<128x128xf32, #tpu.memory_space<hbm>>) target_semaphore(%arg11 : memref<!tpu.dma_semaphore, #tpu.memory_space<semaphore_mem>>)
      %mul3A_65 = arith.constant 2 : i32
      %mul3A_66 = arith.muli %scan3A_31, %mul3A_65 : i32
      %add3A_67 = arith.constant 1 : i32
      %add3A_68 = arith.addi %mul3A_66, %add3A_67 : i32
      %add3A_69 = arith.constant 1 : i32
      %add3A_70 = arith.addi %add3A_68, %add3A_69 : i32
      %min3A_71 = arith.constant 9 : i32
      %min3A_72 = arith.minsi %add3A_70, %min3A_71 : i32
      %sub3A_73 = arith.constant 1 : i32
      %sub3A_74 = arith.subi %add3A_68, %sub3A_73 : i32
      %max3A_75 = arith.constant 0 : i32
      %max3A_76 = arith.maxsi %sub3A_74, %max3A_75 : i32
      %ge3A_77 = arith.constant 1 : i32
      %ge3A_78 = arith.cmpi sge, %add3A_68, %ge3A_77 : i32
      %convert_element_type3A_79 = arith.extui %ge3A_78 : i1 to i32
      %cond3A_80 = arith.constant 0 : i32
      %cond3A_81 = arith.cmpi ne, %convert_element_type3A_79, %cond3A_80 : i32
      scf.if %cond3A_81 {
        %add3A_103 = arith.addi %mul3A_2, %max3A_76 : i32
        %mul3A_104 = arith.constant 128 : i32
        %mul3A_105 = arith.muli %add3A_103, %mul3A_104 : i32
        %dma_wait3A_106 = arith.constant 0 : i32
        %dma_wait3A_107 = tpu.memref_slice %arg4[%mul3A_105, %dma_wait3A_106] : memref<40960x128xf32, #tpu.memory_space<hbm>> -> memref<128x128xf32, #tpu.memory_space<hbm>>
        %dma_wait3A_108 = arith.constant 0 : i32
        %dma_wait3A_109 = tpu.memref_slice %arg4[%mul3A_105, %dma_wait3A_108] : memref<40960x128xf32, #tpu.memory_space<hbm>> -> memref<128x128xf32, #tpu.memory_space<hbm>>
        tpu.wait_dma2 semaphore(%arg11 : memref<!tpu.dma_semaphore, #tpu.memory_space<semaphore_mem>>) src(%arg7 : memref<128x128xf32, #tpu.memory_space<vmem>>) dst(%dma_wait3A_109 : memref<128x128xf32, #tpu.memory_space<hbm>>)
      } else {
      }
      %add3A_82 = arith.constant 1 : i32
      %add3A_83 = arith.addi %add3A_68, %add3A_82 : i32
      %lt3A_84 = arith.constant 10 : i32
      %lt3A_85 = arith.cmpi slt, %add3A_83, %lt3A_84 : i32
      %convert_element_type3A_86 = arith.extui %lt3A_85 : i1 to i32
      %cond3A_87 = arith.constant 0 : i32
      %cond3A_88 = arith.cmpi ne, %convert_element_type3A_86, %cond3A_87 : i32
      scf.if %cond3A_88 {
        %mul3A_103 = arith.constant 128 : i32
        %mul3A_104 = arith.muli %min3A_72, %mul3A_103 : i32
        %multiple_of3A_105 = tpu.assume_multiple %mul3A_104, 128 : i32
        %dma_start3A_106 = tpu.memref_slice %arg5[%multiple_of3A_105] : memref<1280xi32, #tpu.memory_space<vmem>> -> memref<128xi32, #tpu.memory_space<vmem>>
        %dma_start3A_107 = arith.constant 0 : i32
        %dma_start3A_108 = arith.constant 0 : i32
        %dma_start3A_109 = tpu.memref_slice %arg6[%dma_start3A_107, %dma_start3A_108] : memref<10000x128xf32, #tpu.memory_space<vmem_shared>> -> memref<10000x128xf32, #tpu.memory_space<vmem_shared>>
        tpu.enqueue_indirect_dma source(%dma_start3A_109 : memref<10000x128xf32, #tpu.memory_space<vmem_shared>>) target(%arg7 : memref<128x128xf32, #tpu.memory_space<vmem>>) offsets(%dma_start3A_106 : memref<128xi32, #tpu.memory_space<vmem>>) semaphore(%arg9 : memref<!tpu.dma_semaphore, #tpu.memory_space<semaphore_mem>>)
      } else {
      }
      %mul3A_89 = arith.constant 128 : i32
      %mul3A_90 = arith.muli %add3A_68, %mul3A_89 : i32
      %multiple_of3A_91 = tpu.assume_multiple %mul3A_90, 128 : i32
      %dma_wait3A_92 = tpu.memref_slice %arg5[%multiple_of3A_91] : memref<1280xi32, #tpu.memory_space<vmem>> -> memref<128xi32, #tpu.memory_space<vmem>>
      %dma_wait3A_93 = arith.constant 0 : i32
      %dma_wait3A_94 = arith.constant 0 : i32
      %dma_wait3A_95 = tpu.memref_slice %arg6[%dma_wait3A_93, %dma_wait3A_94] : memref<10000x128xf32, #tpu.memory_space<vmem_shared>> -> memref<10000x128xf32, #tpu.memory_space<vmem_shared>>
      tpu.wait_indirect_dma semaphore(%arg10 : memref<!tpu.dma_semaphore, #tpu.memory_space<semaphore_mem>>) src(%dma_wait3A_95 : memref<10000x128xf32, #tpu.memory_space<vmem_shared>>) dst(%arg8 : memref<128x128xf32, #tpu.memory_space<vmem>>)
      %add3A_96 = arith.addi %mul3A_2, %add3A_68 : i32
      %mul3A_97 = arith.constant 128 : i32
      %mul3A_98 = arith.muli %add3A_96, %mul3A_97 : i32
      %dma_start3A_99 = arith.constant 0 : i32
      %dma_start3A_100 = tpu.memref_slice %arg4[%mul3A_98, %dma_start3A_99] : memref<40960x128xf32, #tpu.memory_space<hbm>> -> memref<128x128xf32, #tpu.memory_space<hbm>>
      %dma_start3A_101 = arith.constant 0 : i32
      %dma_start3A_102 = tpu.memref_slice %arg4[%mul3A_98, %dma_start3A_101] : memref<40960x128xf32, #tpu.memory_space<hbm>> -> memref<128x128xf32, #tpu.memory_space<hbm>>
      tpu.enqueue_dma source(%arg8 : memref<128x128xf32, #tpu.memory_space<vmem>>) target(%dma_start3A_102 : memref<128x128xf32, #tpu.memory_space<hbm>>) target_semaphore(%arg12 : memref<!tpu.dma_semaphore, #tpu.memory_space<semaphore_mem>>)
    }
    %scan3A_23 = arith.constant 5 : i32
    %add3A_24 = arith.constant 9 : i32
    %add3A_25 = arith.addi %mul3A_2, %add3A_24 : i32
    %mul3A_26 = arith.constant 128 : i32
    %mul3A_27 = arith.muli %add3A_25, %mul3A_26 : i32
    %dma_wait3A = arith.constant 0 : i32
    %dma_wait3A_28 = tpu.memref_slice %arg4[%mul3A_27, %dma_wait3A] : memref<40960x128xf32, #tpu.memory_space<hbm>> -> memref<128x128xf32, #tpu.memory_space<hbm>>
    %dma_wait3A_29 = arith.constant 0 : i32
    %dma_wait3A_30 = tpu.memref_slice %arg4[%mul3A_27, %dma_wait3A_29] : memref<40960x128xf32, #tpu.memory_space<hbm>> -> memref<128x128xf32, #tpu.memory_space<hbm>>
    tpu.wait_dma2 semaphore(%arg12 : memref<!tpu.dma_semaphore, #tpu.memory_space<semaphore_mem>>) src(%arg8 : memref<128x128xf32, #tpu.memory_space<vmem>>) dst(%dma_wait3A_30 : memref<128x128xf32, #tpu.memory_space<hbm>>)
    return
  }
}

#map = affine_map<(d0, d1) -> (0, 0)>
#map1 = affine_map<(d0, d1) -> (0)>
module attributes {stable_mosaic.version = 14 : i64} {
  func.func @_sc_gather(%arg0: i32, %arg1: i32, %arg2: memref<20000x128xf32, #tpu.memory_space<hbm>>, %arg3: memref<122880xi32, #tpu.memory_space<hbm>>, %arg4: memref<122880x128xf32, #tpu.memory_space<hbm>>, %arg5: memref<3840xi32, #tpu.memory_space<vmem>>, %arg6: memref<10000x128xf32, #tpu.memory_space<vmem_shared>>, %arg7: memref<128x128xf32, #tpu.memory_space<vmem>>, %arg8: memref<128x128xf32, #tpu.memory_space<vmem>>, %arg9: memref<!tpu.dma_semaphore, #tpu.memory_space<semaphore_mem>>, %arg10: memref<!tpu.dma_semaphore, #tpu.memory_space<semaphore_mem>>, %arg11: memref<!tpu.dma_semaphore, #tpu.memory_space<semaphore_mem>>, %arg12: memref<!tpu.dma_semaphore, #tpu.memory_space<semaphore_mem>>) attributes {dimension_semantics = [#tpu.dimension_semantics<core_parallel>, #tpu.dimension_semantics<subcore_parallel>], iteration_bounds = array<i64: 2, 16>, scalar_prefetch = 0 : i64, scratch_operands = 8 : i64, tpu.core_type = #tpu.core_type<sc_vector_subcore>, window_params = [{transform_indices = #map}, {transform_indices = #map1}, {transform_indices = #map}]} {
    %mul3A = arith.constant 16 : i32
    %mul3A_0 = arith.muli %arg0, %mul3A : i32
    %add3A = arith.addi %mul3A_0, %arg1 : i32
    %mul3A_1 = arith.constant 30 : i32
    %mul3A_2 = arith.muli %add3A, %mul3A_1 : i32
    %mul3A_3 = arith.constant 10000 : i32
    %mul3A_4 = arith.muli %arg0, %mul3A_3 : i32
    %multiple_of3A = tpu.assume_multiple %mul3A_4, 8 : i32
    %eq3A = arith.constant 0 : i32
    %eq3A_5 = arith.cmpi eq, %arg1, %eq3A : i32
    %convert_element_type3A = arith.extui %eq3A_5 : i1 to i32
    %cond3A = arith.constant 0 : i32
    %cond3A_6 = arith.cmpi ne, %convert_element_type3A, %cond3A : i32
    scf.if %cond3A_6 {
      %add3A_31 = arith.constant 0 : i32
      %add3A_32 = arith.addi %multiple_of3A, %add3A_31 : i32
      "tpu.region"() ({
        %run_scoped3A = tpu.sem_alloc : memref<!tpu.dma_semaphore, #tpu.memory_space<semaphore_mem>>
        %dma_start3A_33 = arith.constant 0 : i32
        %dma_start3A_34 = arith.constant 0 : i32
        %dma_start3A_35 = tpu.memref_slice %arg6[%dma_start3A_33, %dma_start3A_34] : memref<10000x128xf32, #tpu.memory_space<vmem_shared>> -> memref<5000x128xf32, #tpu.memory_space<vmem_shared>>
        %dma_start3A_36 = arith.constant 0 : i32
        %dma_start3A_37 = tpu.memref_slice %arg2[%add3A_32, %dma_start3A_36] : memref<20000x128xf32, #tpu.memory_space<hbm>> -> memref<5000x128xf32, #tpu.memory_space<hbm>>
        tpu.enqueue_dma source(%dma_start3A_37 : memref<5000x128xf32, #tpu.memory_space<hbm>>) target(%dma_start3A_35 : memref<5000x128xf32, #tpu.memory_space<vmem_shared>>) target_semaphore(%run_scoped3A : memref<!tpu.dma_semaphore, #tpu.memory_space<semaphore_mem>>)
        %dma_wait3A_38 = arith.constant 0 : i32
        %dma_wait3A_39 = arith.constant 0 : i32
        %dma_wait3A_40 = tpu.memref_slice %arg6[%dma_wait3A_38, %dma_wait3A_39] : memref<10000x128xf32, #tpu.memory_space<vmem_shared>> -> memref<5000x128xf32, #tpu.memory_space<vmem_shared>>
        %dma_wait3A_41 = arith.constant 0 : i32
        %dma_wait3A_42 = tpu.memref_slice %arg2[%add3A_32, %dma_wait3A_41] : memref<20000x128xf32, #tpu.memory_space<hbm>> -> memref<5000x128xf32, #tpu.memory_space<hbm>>
        tpu.wait_dma2 semaphore(%run_scoped3A : memref<!tpu.dma_semaphore, #tpu.memory_space<semaphore_mem>>) src(%dma_wait3A_42 : memref<5000x128xf32, #tpu.memory_space<hbm>>) dst(%dma_wait3A_40 : memref<5000x128xf32, #tpu.memory_space<vmem_shared>>)
        tpu.yield
      }) : () -> ()
    } else {
    }
    %eq3A_7 = arith.constant 1 : i32
    %eq3A_8 = arith.cmpi eq, %arg1, %eq3A_7 : i32
    %convert_element_type3A_9 = arith.extui %eq3A_8 : i1 to i32
    %cond3A_10 = arith.constant 0 : i32
    %cond3A_11 = arith.cmpi ne, %convert_element_type3A_9, %cond3A_10 : i32
    scf.if %cond3A_11 {
      %add3A_31 = arith.constant 5000 : i32
      %add3A_32 = arith.addi %multiple_of3A, %add3A_31 : i32
      "tpu.region"() ({
        %run_scoped3A = tpu.sem_alloc : memref<!tpu.dma_semaphore, #tpu.memory_space<semaphore_mem>>
        %dma_start3A_33 = arith.constant 5000 : i32
        %dma_start3A_34 = arith.constant 0 : i32
        %dma_start3A_35 = tpu.memref_slice %arg6[%dma_start3A_33, %dma_start3A_34] : memref<10000x128xf32, #tpu.memory_space<vmem_shared>> -> memref<5000x128xf32, #tpu.memory_space<vmem_shared>>
        %dma_start3A_36 = arith.constant 0 : i32
        %dma_start3A_37 = tpu.memref_slice %arg2[%add3A_32, %dma_start3A_36] : memref<20000x128xf32, #tpu.memory_space<hbm>> -> memref<5000x128xf32, #tpu.memory_space<hbm>>
        tpu.enqueue_dma source(%dma_start3A_37 : memref<5000x128xf32, #tpu.memory_space<hbm>>) target(%dma_start3A_35 : memref<5000x128xf32, #tpu.memory_space<vmem_shared>>) target_semaphore(%run_scoped3A : memref<!tpu.dma_semaphore, #tpu.memory_space<semaphore_mem>>)
        %dma_wait3A_38 = arith.constant 5000 : i32
        %dma_wait3A_39 = arith.constant 0 : i32
        %dma_wait3A_40 = tpu.memref_slice %arg6[%dma_wait3A_38, %dma_wait3A_39] : memref<10000x128xf32, #tpu.memory_space<vmem_shared>> -> memref<5000x128xf32, #tpu.memory_space<vmem_shared>>
        %dma_wait3A_41 = arith.constant 0 : i32
        %dma_wait3A_42 = tpu.memref_slice %arg2[%add3A_32, %dma_wait3A_41] : memref<20000x128xf32, #tpu.memory_space<hbm>> -> memref<5000x128xf32, #tpu.memory_space<hbm>>
        tpu.wait_dma2 semaphore(%run_scoped3A : memref<!tpu.dma_semaphore, #tpu.memory_space<semaphore_mem>>) src(%dma_wait3A_42 : memref<5000x128xf32, #tpu.memory_space<hbm>>) dst(%dma_wait3A_40 : memref<5000x128xf32, #tpu.memory_space<vmem_shared>>)
        tpu.yield
      }) : () -> ()
    } else {
    }
    %mul3A_12 = arith.constant 128 : i32
    %mul3A_13 = arith.muli %mul3A_2, %mul3A_12 : i32
    "tpu.region"() ({
      %run_scoped3A = tpu.sem_alloc : memref<!tpu.dma_semaphore, #tpu.memory_space<semaphore_mem>>
      %dma_start3A_31 = tpu.memref_slice %arg3[%mul3A_13] : memref<122880xi32, #tpu.memory_space<hbm>> -> memref<3840xi32, #tpu.memory_space<hbm>>
      %dma_start3A_32 = tpu.memref_slice %arg3[%mul3A_13] : memref<122880xi32, #tpu.memory_space<hbm>> -> memref<3840xi32, #tpu.memory_space<hbm>>
      tpu.enqueue_dma source(%dma_start3A_32 : memref<3840xi32, #tpu.memory_space<hbm>>) target(%arg5 : memref<3840xi32, #tpu.memory_space<vmem>>) target_semaphore(%run_scoped3A : memref<!tpu.dma_semaphore, #tpu.memory_space<semaphore_mem>>)
      %dma_wait3A_33 = tpu.memref_slice %arg3[%mul3A_13] : memref<122880xi32, #tpu.memory_space<hbm>> -> memref<3840xi32, #tpu.memory_space<hbm>>
      %dma_wait3A_34 = tpu.memref_slice %arg3[%mul3A_13] : memref<122880xi32, #tpu.memory_space<hbm>> -> memref<3840xi32, #tpu.memory_space<hbm>>
      tpu.wait_dma2 semaphore(%run_scoped3A : memref<!tpu.dma_semaphore, #tpu.memory_space<semaphore_mem>>) src(%dma_wait3A_34 : memref<3840xi32, #tpu.memory_space<hbm>>) dst(%arg5 : memref<3840xi32, #tpu.memory_space<vmem>>)
      tpu.yield
    }) : () -> ()
    %barrier3A = arith.constant 0 : index
    tpu.barrier barrier_id(%barrier3A)
    %multiple_of3A_14 = arith.constant 0 : i32
    %multiple_of3A_15 = tpu.assume_multiple %multiple_of3A_14, 128 : i32
    %dma_start3A = tpu.memref_slice %arg5[%multiple_of3A_15] : memref<3840xi32, #tpu.memory_space<vmem>> -> memref<128xi32, #tpu.memory_space<vmem>>
    %dma_start3A_16 = arith.constant 0 : i32
    %dma_start3A_17 = arith.constant 0 : i32
    %dma_start3A_18 = tpu.memref_slice %arg6[%dma_start3A_16, %dma_start3A_17] : memref<10000x128xf32, #tpu.memory_space<vmem_shared>> -> memref<10000x128xf32, #tpu.memory_space<vmem_shared>>
    tpu.enqueue_indirect_dma source(%dma_start3A_18 : memref<10000x128xf32, #tpu.memory_space<vmem_shared>>) target(%arg7 : memref<128x128xf32, #tpu.memory_space<vmem>>) offsets(%dma_start3A : memref<128xi32, #tpu.memory_space<vmem>>) semaphore(%arg9 : memref<!tpu.dma_semaphore, #tpu.memory_space<semaphore_mem>>)
    %scan3A = arith.constant 0 : i32
    %scan3A_19 = arith.constant 0 : i32
    %scan3A_20 = arith.constant 15 : i32
    %scan3A_21 = arith.addi %scan3A_19, %scan3A_20 : i32
    %scan3A_22 = arith.constant 1 : i32
    scf.for %scan3A_31 = %scan3A_19 to %scan3A_21 step %scan3A_22  : i32 {
      %mul3A_32 = arith.constant 2 : i32
      %mul3A_33 = arith.muli %scan3A_31, %mul3A_32 : i32
      %add3A_34 = arith.constant 0 : i32
      %add3A_35 = arith.addi %mul3A_33, %add3A_34 : i32
      %add3A_36 = arith.constant 1 : i32
      %add3A_37 = arith.addi %add3A_35, %add3A_36 : i32
      %min3A = arith.constant 29 : i32
      %min3A_38 = arith.minsi %add3A_37, %min3A : i32
      %sub3A = arith.constant 1 : i32
      %sub3A_39 = arith.subi %add3A_35, %sub3A : i32
      %max3A = arith.constant 0 : i32
      %max3A_40 = arith.maxsi %sub3A_39, %max3A : i32
      %ge3A = arith.constant 1 : i32
      %ge3A_41 = arith.cmpi sge, %add3A_35, %ge3A : i32
      %convert_element_type3A_42 = arith.extui %ge3A_41 : i1 to i32
      %cond3A_43 = arith.constant 0 : i32
      %cond3A_44 = arith.cmpi ne, %convert_element_type3A_42, %cond3A_43 : i32
      scf.if %cond3A_44 {
        %add3A_103 = arith.addi %mul3A_2, %max3A_40 : i32
        %mul3A_104 = arith.constant 128 : i32
        %mul3A_105 = arith.muli %add3A_103, %mul3A_104 : i32
        %dma_wait3A_106 = arith.constant 0 : i32
        %dma_wait3A_107 = tpu.memref_slice %arg4[%mul3A_105, %dma_wait3A_106] : memref<122880x128xf32, #tpu.memory_space<hbm>> -> memref<128x128xf32, #tpu.memory_space<hbm>>
        %dma_wait3A_108 = arith.constant 0 : i32
        %dma_wait3A_109 = tpu.memref_slice %arg4[%mul3A_105, %dma_wait3A_108] : memref<122880x128xf32, #tpu.memory_space<hbm>> -> memref<128x128xf32, #tpu.memory_space<hbm>>
        tpu.wait_dma2 semaphore(%arg12 : memref<!tpu.dma_semaphore, #tpu.memory_space<semaphore_mem>>) src(%arg8 : memref<128x128xf32, #tpu.memory_space<vmem>>) dst(%dma_wait3A_109 : memref<128x128xf32, #tpu.memory_space<hbm>>)
      } else {
      }
      %add3A_45 = arith.constant 1 : i32
      %add3A_46 = arith.addi %add3A_35, %add3A_45 : i32
      %lt3A = arith.constant 30 : i32
      %lt3A_47 = arith.cmpi slt, %add3A_46, %lt3A : i32
      %convert_element_type3A_48 = arith.extui %lt3A_47 : i1 to i32
      %cond3A_49 = arith.constant 0 : i32
      %cond3A_50 = arith.cmpi ne, %convert_element_type3A_48, %cond3A_49 : i32
      scf.if %cond3A_50 {
        %mul3A_103 = arith.constant 128 : i32
        %mul3A_104 = arith.muli %min3A_38, %mul3A_103 : i32
        %multiple_of3A_105 = tpu.assume_multiple %mul3A_104, 128 : i32
        %dma_start3A_106 = tpu.memref_slice %arg5[%multiple_of3A_105] : memref<3840xi32, #tpu.memory_space<vmem>> -> memref<128xi32, #tpu.memory_space<vmem>>
        %dma_start3A_107 = arith.constant 0 : i32
        %dma_start3A_108 = arith.constant 0 : i32
        %dma_start3A_109 = tpu.memref_slice %arg6[%dma_start3A_107, %dma_start3A_108] : memref<10000x128xf32, #tpu.memory_space<vmem_shared>> -> memref<10000x128xf32, #tpu.memory_space<vmem_shared>>
        tpu.enqueue_indirect_dma source(%dma_start3A_109 : memref<10000x128xf32, #tpu.memory_space<vmem_shared>>) target(%arg8 : memref<128x128xf32, #tpu.memory_space<vmem>>) offsets(%dma_start3A_106 : memref<128xi32, #tpu.memory_space<vmem>>) semaphore(%arg10 : memref<!tpu.dma_semaphore, #tpu.memory_space<semaphore_mem>>)
      } else {
      }
      %mul3A_51 = arith.constant 128 : i32
      %mul3A_52 = arith.muli %add3A_35, %mul3A_51 : i32
      %multiple_of3A_53 = tpu.assume_multiple %mul3A_52, 128 : i32
      %dma_wait3A_54 = tpu.memref_slice %arg5[%multiple_of3A_53] : memref<3840xi32, #tpu.memory_space<vmem>> -> memref<128xi32, #tpu.memory_space<vmem>>
      %dma_wait3A_55 = arith.constant 0 : i32
      %dma_wait3A_56 = arith.constant 0 : i32
      %dma_wait3A_57 = tpu.memref_slice %arg6[%dma_wait3A_55, %dma_wait3A_56] : memref<10000x128xf32, #tpu.memory_space<vmem_shared>> -> memref<10000x128xf32, #tpu.memory_space<vmem_shared>>
      tpu.wait_indirect_dma semaphore(%arg9 : memref<!tpu.dma_semaphore, #tpu.memory_space<semaphore_mem>>) src(%dma_wait3A_57 : memref<10000x128xf32, #tpu.memory_space<vmem_shared>>) dst(%arg7 : memref<128x128xf32, #tpu.memory_space<vmem>>)
      %add3A_58 = arith.addi %mul3A_2, %add3A_35 : i32
      %mul3A_59 = arith.constant 128 : i32
      %mul3A_60 = arith.muli %add3A_58, %mul3A_59 : i32
      %dma_start3A_61 = arith.constant 0 : i32
      %dma_start3A_62 = tpu.memref_slice %arg4[%mul3A_60, %dma_start3A_61] : memref<122880x128xf32, #tpu.memory_space<hbm>> -> memref<128x128xf32, #tpu.memory_space<hbm>>
      %dma_start3A_63 = arith.constant 0 : i32
      %dma_start3A_64 = tpu.memref_slice %arg4[%mul3A_60, %dma_start3A_63] : memref<122880x128xf32, #tpu.memory_space<hbm>> -> memref<128x128xf32, #tpu.memory_space<hbm>>
      tpu.enqueue_dma source(%arg7 : memref<128x128xf32, #tpu.memory_space<vmem>>) target(%dma_start3A_64 : memref<128x128xf32, #tpu.memory_space<hbm>>) target_semaphore(%arg11 : memref<!tpu.dma_semaphore, #tpu.memory_space<semaphore_mem>>)
      %mul3A_65 = arith.constant 2 : i32
      %mul3A_66 = arith.muli %scan3A_31, %mul3A_65 : i32
      %add3A_67 = arith.constant 1 : i32
      %add3A_68 = arith.addi %mul3A_66, %add3A_67 : i32
      %add3A_69 = arith.constant 1 : i32
      %add3A_70 = arith.addi %add3A_68, %add3A_69 : i32
      %min3A_71 = arith.constant 29 : i32
      %min3A_72 = arith.minsi %add3A_70, %min3A_71 : i32
      %sub3A_73 = arith.constant 1 : i32
      %sub3A_74 = arith.subi %add3A_68, %sub3A_73 : i32
      %max3A_75 = arith.constant 0 : i32
      %max3A_76 = arith.maxsi %sub3A_74, %max3A_75 : i32
      %ge3A_77 = arith.constant 1 : i32
      %ge3A_78 = arith.cmpi sge, %add3A_68, %ge3A_77 : i32
      %convert_element_type3A_79 = arith.extui %ge3A_78 : i1 to i32
      %cond3A_80 = arith.constant 0 : i32
      %cond3A_81 = arith.cmpi ne, %convert_element_type3A_79, %cond3A_80 : i32
      scf.if %cond3A_81 {
        %add3A_103 = arith.addi %mul3A_2, %max3A_76 : i32
        %mul3A_104 = arith.constant 128 : i32
        %mul3A_105 = arith.muli %add3A_103, %mul3A_104 : i32
        %dma_wait3A_106 = arith.constant 0 : i32
        %dma_wait3A_107 = tpu.memref_slice %arg4[%mul3A_105, %dma_wait3A_106] : memref<122880x128xf32, #tpu.memory_space<hbm>> -> memref<128x128xf32, #tpu.memory_space<hbm>>
        %dma_wait3A_108 = arith.constant 0 : i32
        %dma_wait3A_109 = tpu.memref_slice %arg4[%mul3A_105, %dma_wait3A_108] : memref<122880x128xf32, #tpu.memory_space<hbm>> -> memref<128x128xf32, #tpu.memory_space<hbm>>
        tpu.wait_dma2 semaphore(%arg11 : memref<!tpu.dma_semaphore, #tpu.memory_space<semaphore_mem>>) src(%arg7 : memref<128x128xf32, #tpu.memory_space<vmem>>) dst(%dma_wait3A_109 : memref<128x128xf32, #tpu.memory_space<hbm>>)
      } else {
      }
      %add3A_82 = arith.constant 1 : i32
      %add3A_83 = arith.addi %add3A_68, %add3A_82 : i32
      %lt3A_84 = arith.constant 30 : i32
      %lt3A_85 = arith.cmpi slt, %add3A_83, %lt3A_84 : i32
      %convert_element_type3A_86 = arith.extui %lt3A_85 : i1 to i32
      %cond3A_87 = arith.constant 0 : i32
      %cond3A_88 = arith.cmpi ne, %convert_element_type3A_86, %cond3A_87 : i32
      scf.if %cond3A_88 {
        %mul3A_103 = arith.constant 128 : i32
        %mul3A_104 = arith.muli %min3A_72, %mul3A_103 : i32
        %multiple_of3A_105 = tpu.assume_multiple %mul3A_104, 128 : i32
        %dma_start3A_106 = tpu.memref_slice %arg5[%multiple_of3A_105] : memref<3840xi32, #tpu.memory_space<vmem>> -> memref<128xi32, #tpu.memory_space<vmem>>
        %dma_start3A_107 = arith.constant 0 : i32
        %dma_start3A_108 = arith.constant 0 : i32
        %dma_start3A_109 = tpu.memref_slice %arg6[%dma_start3A_107, %dma_start3A_108] : memref<10000x128xf32, #tpu.memory_space<vmem_shared>> -> memref<10000x128xf32, #tpu.memory_space<vmem_shared>>
        tpu.enqueue_indirect_dma source(%dma_start3A_109 : memref<10000x128xf32, #tpu.memory_space<vmem_shared>>) target(%arg7 : memref<128x128xf32, #tpu.memory_space<vmem>>) offsets(%dma_start3A_106 : memref<128xi32, #tpu.memory_space<vmem>>) semaphore(%arg9 : memref<!tpu.dma_semaphore, #tpu.memory_space<semaphore_mem>>)
      } else {
      }
      %mul3A_89 = arith.constant 128 : i32
      %mul3A_90 = arith.muli %add3A_68, %mul3A_89 : i32
      %multiple_of3A_91 = tpu.assume_multiple %mul3A_90, 128 : i32
      %dma_wait3A_92 = tpu.memref_slice %arg5[%multiple_of3A_91] : memref<3840xi32, #tpu.memory_space<vmem>> -> memref<128xi32, #tpu.memory_space<vmem>>
      %dma_wait3A_93 = arith.constant 0 : i32
      %dma_wait3A_94 = arith.constant 0 : i32
      %dma_wait3A_95 = tpu.memref_slice %arg6[%dma_wait3A_93, %dma_wait3A_94] : memref<10000x128xf32, #tpu.memory_space<vmem_shared>> -> memref<10000x128xf32, #tpu.memory_space<vmem_shared>>
      tpu.wait_indirect_dma semaphore(%arg10 : memref<!tpu.dma_semaphore, #tpu.memory_space<semaphore_mem>>) src(%dma_wait3A_95 : memref<10000x128xf32, #tpu.memory_space<vmem_shared>>) dst(%arg8 : memref<128x128xf32, #tpu.memory_space<vmem>>)
      %add3A_96 = arith.addi %mul3A_2, %add3A_68 : i32
      %mul3A_97 = arith.constant 128 : i32
      %mul3A_98 = arith.muli %add3A_96, %mul3A_97 : i32
      %dma_start3A_99 = arith.constant 0 : i32
      %dma_start3A_100 = tpu.memref_slice %arg4[%mul3A_98, %dma_start3A_99] : memref<122880x128xf32, #tpu.memory_space<hbm>> -> memref<128x128xf32, #tpu.memory_space<hbm>>
      %dma_start3A_101 = arith.constant 0 : i32
      %dma_start3A_102 = tpu.memref_slice %arg4[%mul3A_98, %dma_start3A_101] : memref<122880x128xf32, #tpu.memory_space<hbm>> -> memref<128x128xf32, #tpu.memory_space<hbm>>
      tpu.enqueue_dma source(%arg8 : memref<128x128xf32, #tpu.memory_space<vmem>>) target(%dma_start3A_102 : memref<128x128xf32, #tpu.memory_space<hbm>>) target_semaphore(%arg12 : memref<!tpu.dma_semaphore, #tpu.memory_space<semaphore_mem>>)
    }
    %scan3A_23 = arith.constant 15 : i32
    %add3A_24 = arith.constant 29 : i32
    %add3A_25 = arith.addi %mul3A_2, %add3A_24 : i32
    %mul3A_26 = arith.constant 128 : i32
    %mul3A_27 = arith.muli %add3A_25, %mul3A_26 : i32
    %dma_wait3A = arith.constant 0 : i32
    %dma_wait3A_28 = tpu.memref_slice %arg4[%mul3A_27, %dma_wait3A] : memref<122880x128xf32, #tpu.memory_space<hbm>> -> memref<128x128xf32, #tpu.memory_space<hbm>>
    %dma_wait3A_29 = arith.constant 0 : i32
    %dma_wait3A_30 = tpu.memref_slice %arg4[%mul3A_27, %dma_wait3A_29] : memref<122880x128xf32, #tpu.memory_space<hbm>> -> memref<128x128xf32, #tpu.memory_space<hbm>>
    tpu.wait_dma2 semaphore(%arg12 : memref<!tpu.dma_semaphore, #tpu.memory_space<semaphore_mem>>) src(%arg8 : memref<128x128xf32, #tpu.memory_space<vmem>>) dst(%dma_wait3A_30 : memref<128x128xf32, #tpu.memory_space<hbm>>)
    return
  }
}

#map = affine_map<(d0, d1) -> (0, 0)>
#map1 = affine_map<(d0, d1) -> (0)>
module attributes {stable_mosaic.version = 14 : i64} {
  func.func @_sc_gather(%arg0: i32, %arg1: i32, %arg2: memref<20000x128xf32, #tpu.memory_space<hbm>>, %arg3: memref<163840xi32, #tpu.memory_space<hbm>>, %arg4: memref<163840x128xf32, #tpu.memory_space<hbm>>, %arg5: memref<5120xi32, #tpu.memory_space<vmem>>, %arg6: memref<10000x128xf32, #tpu.memory_space<vmem_shared>>, %arg7: memref<128x128xf32, #tpu.memory_space<vmem>>, %arg8: memref<128x128xf32, #tpu.memory_space<vmem>>, %arg9: memref<!tpu.dma_semaphore, #tpu.memory_space<semaphore_mem>>, %arg10: memref<!tpu.dma_semaphore, #tpu.memory_space<semaphore_mem>>, %arg11: memref<!tpu.dma_semaphore, #tpu.memory_space<semaphore_mem>>, %arg12: memref<!tpu.dma_semaphore, #tpu.memory_space<semaphore_mem>>) attributes {dimension_semantics = [#tpu.dimension_semantics<core_parallel>, #tpu.dimension_semantics<subcore_parallel>], iteration_bounds = array<i64: 2, 16>, scalar_prefetch = 0 : i64, scratch_operands = 8 : i64, tpu.core_type = #tpu.core_type<sc_vector_subcore>, window_params = [{transform_indices = #map}, {transform_indices = #map1}, {transform_indices = #map}]} {
    %mul3A = arith.constant 16 : i32
    %mul3A_0 = arith.muli %arg0, %mul3A : i32
    %add3A = arith.addi %mul3A_0, %arg1 : i32
    %mul3A_1 = arith.constant 40 : i32
    %mul3A_2 = arith.muli %add3A, %mul3A_1 : i32
    %mul3A_3 = arith.constant 10000 : i32
    %mul3A_4 = arith.muli %arg0, %mul3A_3 : i32
    %multiple_of3A = tpu.assume_multiple %mul3A_4, 8 : i32
    %eq3A = arith.constant 0 : i32
    %eq3A_5 = arith.cmpi eq, %arg1, %eq3A : i32
    %convert_element_type3A = arith.extui %eq3A_5 : i1 to i32
    %cond3A = arith.constant 0 : i32
    %cond3A_6 = arith.cmpi ne, %convert_element_type3A, %cond3A : i32
    scf.if %cond3A_6 {
      %add3A_31 = arith.constant 0 : i32
      %add3A_32 = arith.addi %multiple_of3A, %add3A_31 : i32
      "tpu.region"() ({
        %run_scoped3A = tpu.sem_alloc : memref<!tpu.dma_semaphore, #tpu.memory_space<semaphore_mem>>
        %dma_start3A_33 = arith.constant 0 : i32
        %dma_start3A_34 = arith.constant 0 : i32
        %dma_start3A_35 = tpu.memref_slice %arg6[%dma_start3A_33, %dma_start3A_34] : memref<10000x128xf32, #tpu.memory_space<vmem_shared>> -> memref<5000x128xf32, #tpu.memory_space<vmem_shared>>
        %dma_start3A_36 = arith.constant 0 : i32
        %dma_start3A_37 = tpu.memref_slice %arg2[%add3A_32, %dma_start3A_36] : memref<20000x128xf32, #tpu.memory_space<hbm>> -> memref<5000x128xf32, #tpu.memory_space<hbm>>
        tpu.enqueue_dma source(%dma_start3A_37 : memref<5000x128xf32, #tpu.memory_space<hbm>>) target(%dma_start3A_35 : memref<5000x128xf32, #tpu.memory_space<vmem_shared>>) target_semaphore(%run_scoped3A : memref<!tpu.dma_semaphore, #tpu.memory_space<semaphore_mem>>)
        %dma_wait3A_38 = arith.constant 0 : i32
        %dma_wait3A_39 = arith.constant 0 : i32
        %dma_wait3A_40 = tpu.memref_slice %arg6[%dma_wait3A_38, %dma_wait3A_39] : memref<10000x128xf32, #tpu.memory_space<vmem_shared>> -> memref<5000x128xf32, #tpu.memory_space<vmem_shared>>
        %dma_wait3A_41 = arith.constant 0 : i32
        %dma_wait3A_42 = tpu.memref_slice %arg2[%add3A_32, %dma_wait3A_41] : memref<20000x128xf32, #tpu.memory_space<hbm>> -> memref<5000x128xf32, #tpu.memory_space<hbm>>
        tpu.wait_dma2 semaphore(%run_scoped3A : memref<!tpu.dma_semaphore, #tpu.memory_space<semaphore_mem>>) src(%dma_wait3A_42 : memref<5000x128xf32, #tpu.memory_space<hbm>>) dst(%dma_wait3A_40 : memref<5000x128xf32, #tpu.memory_space<vmem_shared>>)
        tpu.yield
      }) : () -> ()
    } else {
    }
    %eq3A_7 = arith.constant 1 : i32
    %eq3A_8 = arith.cmpi eq, %arg1, %eq3A_7 : i32
    %convert_element_type3A_9 = arith.extui %eq3A_8 : i1 to i32
    %cond3A_10 = arith.constant 0 : i32
    %cond3A_11 = arith.cmpi ne, %convert_element_type3A_9, %cond3A_10 : i32
    scf.if %cond3A_11 {
      %add3A_31 = arith.constant 5000 : i32
      %add3A_32 = arith.addi %multiple_of3A, %add3A_31 : i32
      "tpu.region"() ({
        %run_scoped3A = tpu.sem_alloc : memref<!tpu.dma_semaphore, #tpu.memory_space<semaphore_mem>>
        %dma_start3A_33 = arith.constant 5000 : i32
        %dma_start3A_34 = arith.constant 0 : i32
        %dma_start3A_35 = tpu.memref_slice %arg6[%dma_start3A_33, %dma_start3A_34] : memref<10000x128xf32, #tpu.memory_space<vmem_shared>> -> memref<5000x128xf32, #tpu.memory_space<vmem_shared>>
        %dma_start3A_36 = arith.constant 0 : i32
        %dma_start3A_37 = tpu.memref_slice %arg2[%add3A_32, %dma_start3A_36] : memref<20000x128xf32, #tpu.memory_space<hbm>> -> memref<5000x128xf32, #tpu.memory_space<hbm>>
        tpu.enqueue_dma source(%dma_start3A_37 : memref<5000x128xf32, #tpu.memory_space<hbm>>) target(%dma_start3A_35 : memref<5000x128xf32, #tpu.memory_space<vmem_shared>>) target_semaphore(%run_scoped3A : memref<!tpu.dma_semaphore, #tpu.memory_space<semaphore_mem>>)
        %dma_wait3A_38 = arith.constant 5000 : i32
        %dma_wait3A_39 = arith.constant 0 : i32
        %dma_wait3A_40 = tpu.memref_slice %arg6[%dma_wait3A_38, %dma_wait3A_39] : memref<10000x128xf32, #tpu.memory_space<vmem_shared>> -> memref<5000x128xf32, #tpu.memory_space<vmem_shared>>
        %dma_wait3A_41 = arith.constant 0 : i32
        %dma_wait3A_42 = tpu.memref_slice %arg2[%add3A_32, %dma_wait3A_41] : memref<20000x128xf32, #tpu.memory_space<hbm>> -> memref<5000x128xf32, #tpu.memory_space<hbm>>
        tpu.wait_dma2 semaphore(%run_scoped3A : memref<!tpu.dma_semaphore, #tpu.memory_space<semaphore_mem>>) src(%dma_wait3A_42 : memref<5000x128xf32, #tpu.memory_space<hbm>>) dst(%dma_wait3A_40 : memref<5000x128xf32, #tpu.memory_space<vmem_shared>>)
        tpu.yield
      }) : () -> ()
    } else {
    }
    %mul3A_12 = arith.constant 128 : i32
    %mul3A_13 = arith.muli %mul3A_2, %mul3A_12 : i32
    "tpu.region"() ({
      %run_scoped3A = tpu.sem_alloc : memref<!tpu.dma_semaphore, #tpu.memory_space<semaphore_mem>>
      %dma_start3A_31 = tpu.memref_slice %arg3[%mul3A_13] : memref<163840xi32, #tpu.memory_space<hbm>> -> memref<5120xi32, #tpu.memory_space<hbm>>
      %dma_start3A_32 = tpu.memref_slice %arg3[%mul3A_13] : memref<163840xi32, #tpu.memory_space<hbm>> -> memref<5120xi32, #tpu.memory_space<hbm>>
      tpu.enqueue_dma source(%dma_start3A_32 : memref<5120xi32, #tpu.memory_space<hbm>>) target(%arg5 : memref<5120xi32, #tpu.memory_space<vmem>>) target_semaphore(%run_scoped3A : memref<!tpu.dma_semaphore, #tpu.memory_space<semaphore_mem>>)
      %dma_wait3A_33 = tpu.memref_slice %arg3[%mul3A_13] : memref<163840xi32, #tpu.memory_space<hbm>> -> memref<5120xi32, #tpu.memory_space<hbm>>
      %dma_wait3A_34 = tpu.memref_slice %arg3[%mul3A_13] : memref<163840xi32, #tpu.memory_space<hbm>> -> memref<5120xi32, #tpu.memory_space<hbm>>
      tpu.wait_dma2 semaphore(%run_scoped3A : memref<!tpu.dma_semaphore, #tpu.memory_space<semaphore_mem>>) src(%dma_wait3A_34 : memref<5120xi32, #tpu.memory_space<hbm>>) dst(%arg5 : memref<5120xi32, #tpu.memory_space<vmem>>)
      tpu.yield
    }) : () -> ()
    %barrier3A = arith.constant 0 : index
    tpu.barrier barrier_id(%barrier3A)
    %multiple_of3A_14 = arith.constant 0 : i32
    %multiple_of3A_15 = tpu.assume_multiple %multiple_of3A_14, 128 : i32
    %dma_start3A = tpu.memref_slice %arg5[%multiple_of3A_15] : memref<5120xi32, #tpu.memory_space<vmem>> -> memref<128xi32, #tpu.memory_space<vmem>>
    %dma_start3A_16 = arith.constant 0 : i32
    %dma_start3A_17 = arith.constant 0 : i32
    %dma_start3A_18 = tpu.memref_slice %arg6[%dma_start3A_16, %dma_start3A_17] : memref<10000x128xf32, #tpu.memory_space<vmem_shared>> -> memref<10000x128xf32, #tpu.memory_space<vmem_shared>>
    tpu.enqueue_indirect_dma source(%dma_start3A_18 : memref<10000x128xf32, #tpu.memory_space<vmem_shared>>) target(%arg7 : memref<128x128xf32, #tpu.memory_space<vmem>>) offsets(%dma_start3A : memref<128xi32, #tpu.memory_space<vmem>>) semaphore(%arg9 : memref<!tpu.dma_semaphore, #tpu.memory_space<semaphore_mem>>)
    %scan3A = arith.constant 0 : i32
    %scan3A_19 = arith.constant 0 : i32
    %scan3A_20 = arith.constant 20 : i32
    %scan3A_21 = arith.addi %scan3A_19, %scan3A_20 : i32
    %scan3A_22 = arith.constant 1 : i32
    scf.for %scan3A_31 = %scan3A_19 to %scan3A_21 step %scan3A_22  : i32 {
      %mul3A_32 = arith.constant 2 : i32
      %mul3A_33 = arith.muli %scan3A_31, %mul3A_32 : i32
      %add3A_34 = arith.constant 0 : i32
      %add3A_35 = arith.addi %mul3A_33, %add3A_34 : i32
      %add3A_36 = arith.constant 1 : i32
      %add3A_37 = arith.addi %add3A_35, %add3A_36 : i32
      %min3A = arith.constant 39 : i32
      %min3A_38 = arith.minsi %add3A_37, %min3A : i32
      %sub3A = arith.constant 1 : i32
      %sub3A_39 = arith.subi %add3A_35, %sub3A : i32
      %max3A = arith.constant 0 : i32
      %max3A_40 = arith.maxsi %sub3A_39, %max3A : i32
      %ge3A = arith.constant 1 : i32
      %ge3A_41 = arith.cmpi sge, %add3A_35, %ge3A : i32
      %convert_element_type3A_42 = arith.extui %ge3A_41 : i1 to i32
      %cond3A_43 = arith.constant 0 : i32
      %cond3A_44 = arith.cmpi ne, %convert_element_type3A_42, %cond3A_43 : i32
      scf.if %cond3A_44 {
        %add3A_103 = arith.addi %mul3A_2, %max3A_40 : i32
        %mul3A_104 = arith.constant 128 : i32
        %mul3A_105 = arith.muli %add3A_103, %mul3A_104 : i32
        %dma_wait3A_106 = arith.constant 0 : i32
        %dma_wait3A_107 = tpu.memref_slice %arg4[%mul3A_105, %dma_wait3A_106] : memref<163840x128xf32, #tpu.memory_space<hbm>> -> memref<128x128xf32, #tpu.memory_space<hbm>>
        %dma_wait3A_108 = arith.constant 0 : i32
        %dma_wait3A_109 = tpu.memref_slice %arg4[%mul3A_105, %dma_wait3A_108] : memref<163840x128xf32, #tpu.memory_space<hbm>> -> memref<128x128xf32, #tpu.memory_space<hbm>>
        tpu.wait_dma2 semaphore(%arg12 : memref<!tpu.dma_semaphore, #tpu.memory_space<semaphore_mem>>) src(%arg8 : memref<128x128xf32, #tpu.memory_space<vmem>>) dst(%dma_wait3A_109 : memref<128x128xf32, #tpu.memory_space<hbm>>)
      } else {
      }
      %add3A_45 = arith.constant 1 : i32
      %add3A_46 = arith.addi %add3A_35, %add3A_45 : i32
      %lt3A = arith.constant 40 : i32
      %lt3A_47 = arith.cmpi slt, %add3A_46, %lt3A : i32
      %convert_element_type3A_48 = arith.extui %lt3A_47 : i1 to i32
      %cond3A_49 = arith.constant 0 : i32
      %cond3A_50 = arith.cmpi ne, %convert_element_type3A_48, %cond3A_49 : i32
      scf.if %cond3A_50 {
        %mul3A_103 = arith.constant 128 : i32
        %mul3A_104 = arith.muli %min3A_38, %mul3A_103 : i32
        %multiple_of3A_105 = tpu.assume_multiple %mul3A_104, 128 : i32
        %dma_start3A_106 = tpu.memref_slice %arg5[%multiple_of3A_105] : memref<5120xi32, #tpu.memory_space<vmem>> -> memref<128xi32, #tpu.memory_space<vmem>>
        %dma_start3A_107 = arith.constant 0 : i32
        %dma_start3A_108 = arith.constant 0 : i32
        %dma_start3A_109 = tpu.memref_slice %arg6[%dma_start3A_107, %dma_start3A_108] : memref<10000x128xf32, #tpu.memory_space<vmem_shared>> -> memref<10000x128xf32, #tpu.memory_space<vmem_shared>>
        tpu.enqueue_indirect_dma source(%dma_start3A_109 : memref<10000x128xf32, #tpu.memory_space<vmem_shared>>) target(%arg8 : memref<128x128xf32, #tpu.memory_space<vmem>>) offsets(%dma_start3A_106 : memref<128xi32, #tpu.memory_space<vmem>>) semaphore(%arg10 : memref<!tpu.dma_semaphore, #tpu.memory_space<semaphore_mem>>)
      } else {
      }
      %mul3A_51 = arith.constant 128 : i32
      %mul3A_52 = arith.muli %add3A_35, %mul3A_51 : i32
      %multiple_of3A_53 = tpu.assume_multiple %mul3A_52, 128 : i32
      %dma_wait3A_54 = tpu.memref_slice %arg5[%multiple_of3A_53] : memref<5120xi32, #tpu.memory_space<vmem>> -> memref<128xi32, #tpu.memory_space<vmem>>
      %dma_wait3A_55 = arith.constant 0 : i32
      %dma_wait3A_56 = arith.constant 0 : i32
      %dma_wait3A_57 = tpu.memref_slice %arg6[%dma_wait3A_55, %dma_wait3A_56] : memref<10000x128xf32, #tpu.memory_space<vmem_shared>> -> memref<10000x128xf32, #tpu.memory_space<vmem_shared>>
      tpu.wait_indirect_dma semaphore(%arg9 : memref<!tpu.dma_semaphore, #tpu.memory_space<semaphore_mem>>) src(%dma_wait3A_57 : memref<10000x128xf32, #tpu.memory_space<vmem_shared>>) dst(%arg7 : memref<128x128xf32, #tpu.memory_space<vmem>>)
      %add3A_58 = arith.addi %mul3A_2, %add3A_35 : i32
      %mul3A_59 = arith.constant 128 : i32
      %mul3A_60 = arith.muli %add3A_58, %mul3A_59 : i32
      %dma_start3A_61 = arith.constant 0 : i32
      %dma_start3A_62 = tpu.memref_slice %arg4[%mul3A_60, %dma_start3A_61] : memref<163840x128xf32, #tpu.memory_space<hbm>> -> memref<128x128xf32, #tpu.memory_space<hbm>>
      %dma_start3A_63 = arith.constant 0 : i32
      %dma_start3A_64 = tpu.memref_slice %arg4[%mul3A_60, %dma_start3A_63] : memref<163840x128xf32, #tpu.memory_space<hbm>> -> memref<128x128xf32, #tpu.memory_space<hbm>>
      tpu.enqueue_dma source(%arg7 : memref<128x128xf32, #tpu.memory_space<vmem>>) target(%dma_start3A_64 : memref<128x128xf32, #tpu.memory_space<hbm>>) target_semaphore(%arg11 : memref<!tpu.dma_semaphore, #tpu.memory_space<semaphore_mem>>)
      %mul3A_65 = arith.constant 2 : i32
      %mul3A_66 = arith.muli %scan3A_31, %mul3A_65 : i32
      %add3A_67 = arith.constant 1 : i32
      %add3A_68 = arith.addi %mul3A_66, %add3A_67 : i32
      %add3A_69 = arith.constant 1 : i32
      %add3A_70 = arith.addi %add3A_68, %add3A_69 : i32
      %min3A_71 = arith.constant 39 : i32
      %min3A_72 = arith.minsi %add3A_70, %min3A_71 : i32
      %sub3A_73 = arith.constant 1 : i32
      %sub3A_74 = arith.subi %add3A_68, %sub3A_73 : i32
      %max3A_75 = arith.constant 0 : i32
      %max3A_76 = arith.maxsi %sub3A_74, %max3A_75 : i32
      %ge3A_77 = arith.constant 1 : i32
      %ge3A_78 = arith.cmpi sge, %add3A_68, %ge3A_77 : i32
      %convert_element_type3A_79 = arith.extui %ge3A_78 : i1 to i32
      %cond3A_80 = arith.constant 0 : i32
      %cond3A_81 = arith.cmpi ne, %convert_element_type3A_79, %cond3A_80 : i32
      scf.if %cond3A_81 {
        %add3A_103 = arith.addi %mul3A_2, %max3A_76 : i32
        %mul3A_104 = arith.constant 128 : i32
        %mul3A_105 = arith.muli %add3A_103, %mul3A_104 : i32
        %dma_wait3A_106 = arith.constant 0 : i32
        %dma_wait3A_107 = tpu.memref_slice %arg4[%mul3A_105, %dma_wait3A_106] : memref<163840x128xf32, #tpu.memory_space<hbm>> -> memref<128x128xf32, #tpu.memory_space<hbm>>
        %dma_wait3A_108 = arith.constant 0 : i32
        %dma_wait3A_109 = tpu.memref_slice %arg4[%mul3A_105, %dma_wait3A_108] : memref<163840x128xf32, #tpu.memory_space<hbm>> -> memref<128x128xf32, #tpu.memory_space<hbm>>
        tpu.wait_dma2 semaphore(%arg11 : memref<!tpu.dma_semaphore, #tpu.memory_space<semaphore_mem>>) src(%arg7 : memref<128x128xf32, #tpu.memory_space<vmem>>) dst(%dma_wait3A_109 : memref<128x128xf32, #tpu.memory_space<hbm>>)
      } else {
      }
      %add3A_82 = arith.constant 1 : i32
      %add3A_83 = arith.addi %add3A_68, %add3A_82 : i32
      %lt3A_84 = arith.constant 40 : i32
      %lt3A_85 = arith.cmpi slt, %add3A_83, %lt3A_84 : i32
      %convert_element_type3A_86 = arith.extui %lt3A_85 : i1 to i32
      %cond3A_87 = arith.constant 0 : i32
      %cond3A_88 = arith.cmpi ne, %convert_element_type3A_86, %cond3A_87 : i32
      scf.if %cond3A_88 {
        %mul3A_103 = arith.constant 128 : i32
        %mul3A_104 = arith.muli %min3A_72, %mul3A_103 : i32
        %multiple_of3A_105 = tpu.assume_multiple %mul3A_104, 128 : i32
        %dma_start3A_106 = tpu.memref_slice %arg5[%multiple_of3A_105] : memref<5120xi32, #tpu.memory_space<vmem>> -> memref<128xi32, #tpu.memory_space<vmem>>
        %dma_start3A_107 = arith.constant 0 : i32
        %dma_start3A_108 = arith.constant 0 : i32
        %dma_start3A_109 = tpu.memref_slice %arg6[%dma_start3A_107, %dma_start3A_108] : memref<10000x128xf32, #tpu.memory_space<vmem_shared>> -> memref<10000x128xf32, #tpu.memory_space<vmem_shared>>
        tpu.enqueue_indirect_dma source(%dma_start3A_109 : memref<10000x128xf32, #tpu.memory_space<vmem_shared>>) target(%arg7 : memref<128x128xf32, #tpu.memory_space<vmem>>) offsets(%dma_start3A_106 : memref<128xi32, #tpu.memory_space<vmem>>) semaphore(%arg9 : memref<!tpu.dma_semaphore, #tpu.memory_space<semaphore_mem>>)
      } else {
      }
      %mul3A_89 = arith.constant 128 : i32
      %mul3A_90 = arith.muli %add3A_68, %mul3A_89 : i32
      %multiple_of3A_91 = tpu.assume_multiple %mul3A_90, 128 : i32
      %dma_wait3A_92 = tpu.memref_slice %arg5[%multiple_of3A_91] : memref<5120xi32, #tpu.memory_space<vmem>> -> memref<128xi32, #tpu.memory_space<vmem>>
      %dma_wait3A_93 = arith.constant 0 : i32
      %dma_wait3A_94 = arith.constant 0 : i32
      %dma_wait3A_95 = tpu.memref_slice %arg6[%dma_wait3A_93, %dma_wait3A_94] : memref<10000x128xf32, #tpu.memory_space<vmem_shared>> -> memref<10000x128xf32, #tpu.memory_space<vmem_shared>>
      tpu.wait_indirect_dma semaphore(%arg10 : memref<!tpu.dma_semaphore, #tpu.memory_space<semaphore_mem>>) src(%dma_wait3A_95 : memref<10000x128xf32, #tpu.memory_space<vmem_shared>>) dst(%arg8 : memref<128x128xf32, #tpu.memory_space<vmem>>)
      %add3A_96 = arith.addi %mul3A_2, %add3A_68 : i32
      %mul3A_97 = arith.constant 128 : i32
      %mul3A_98 = arith.muli %add3A_96, %mul3A_97 : i32
      %dma_start3A_99 = arith.constant 0 : i32
      %dma_start3A_100 = tpu.memref_slice %arg4[%mul3A_98, %dma_start3A_99] : memref<163840x128xf32, #tpu.memory_space<hbm>> -> memref<128x128xf32, #tpu.memory_space<hbm>>
      %dma_start3A_101 = arith.constant 0 : i32
      %dma_start3A_102 = tpu.memref_slice %arg4[%mul3A_98, %dma_start3A_101] : memref<163840x128xf32, #tpu.memory_space<hbm>> -> memref<128x128xf32, #tpu.memory_space<hbm>>
      tpu.enqueue_dma source(%arg8 : memref<128x128xf32, #tpu.memory_space<vmem>>) target(%dma_start3A_102 : memref<128x128xf32, #tpu.memory_space<hbm>>) target_semaphore(%arg12 : memref<!tpu.dma_semaphore, #tpu.memory_space<semaphore_mem>>)
    }
    %scan3A_23 = arith.constant 20 : i32
    %add3A_24 = arith.constant 39 : i32
    %add3A_25 = arith.addi %mul3A_2, %add3A_24 : i32
    %mul3A_26 = arith.constant 128 : i32
    %mul3A_27 = arith.muli %add3A_25, %mul3A_26 : i32
    %dma_wait3A = arith.constant 0 : i32
    %dma_wait3A_28 = tpu.memref_slice %arg4[%mul3A_27, %dma_wait3A] : memref<163840x128xf32, #tpu.memory_space<hbm>> -> memref<128x128xf32, #tpu.memory_space<hbm>>
    %dma_wait3A_29 = arith.constant 0 : i32
    %dma_wait3A_30 = tpu.memref_slice %arg4[%mul3A_27, %dma_wait3A_29] : memref<163840x128xf32, #tpu.memory_space<hbm>> -> memref<128x128xf32, #tpu.memory_space<hbm>>
    tpu.wait_dma2 semaphore(%arg12 : memref<!tpu.dma_semaphore, #tpu.memory_space<semaphore_mem>>) src(%arg8 : memref<128x128xf32, #tpu.memory_space<vmem>>) dst(%dma_wait3A_30 : memref<128x128xf32, #tpu.memory_space<hbm>>)
    return
  }
}

module attributes {stable_mosaic.version = 14 : i64} {
  func.func @_proj_body(%arg0: i32, %arg1: i32, %arg2: memref<1000x256xf32, #tpu.memory_space<vmem>>, %arg3: memref<1x256x256xf32, #tpu.memory_space<vmem>>, %arg4: memref<1000x128xf32, #tpu.memory_space<vmem>>) attributes {dimension_semantics = [#tpu.dimension_semantics<arbitrary>, #tpu.dimension_semantics<arbitrary>], iteration_bounds = array<i64: 2, 10>, scalar_prefetch = 0 : i64, scratch_operands = 0 : i64, tpu.core_type = #tpu.core_type<tc>, window_params = [{transform_indices = @transform_0, window_bounds = array<i64: 1000, 256>}, {transform_indices = @transform_1, window_bounds = array<i64: 1, 256, 256>}, {transform_indices = @transform_2, window_bounds = array<i64: 1000, 128>}]} {
    %get3A = arith.constant 0 : index
    %get3A_0 = arith.constant 0 : index
    %get3A_1 = vector.load %arg2[%get3A, %get3A_0] : memref<1000x256xf32, #tpu.memory_space<vmem>>, vector<1000x256xf32>
    %get3A_2 = arith.constant 0 : index
    %get3A_3 = arith.constant 0 : index
    %get3A_4 = arith.constant 0 : index
    %get3A_5 = vector.load %arg3[%get3A_2, %get3A_3, %get3A_4] : memref<1x256x256xf32, #tpu.memory_space<vmem>>, vector<1x256x256xf32>
    %get3A_6 = vector.shape_cast %get3A_5 : vector<1x256x256xf32> to vector<256x256xf32>
    %dot_general3A = arith.constant dense<0.000000e+00> : vector<1000x256xf32>
    %dot_general3A_7 = tpu.matmul %get3A_1, %get3A_6, %dot_general3A {dimension_numbers = #tpu.dot_dimension_numbers<[1], [0], [0], [1], [0, 0, 1, 1], [], []>, transpose_lhs_hint = false} : vector<1000x256xf32>, vector<256x256xf32>, vector<1000x256xf32> -> vector<1000x256xf32>
    %slice3A = vector.extract_strided_slice %dot_general3A_7 {offsets = [0, 0], sizes = [1000, 128], strides = [1, 1]} : vector<1000x256xf32> to vector<1000x128xf32>
    %convert_element_type3A = arith.truncf %slice3A : vector<1000x128xf32> to vector<1000x128xbf16>
    %convert_element_type3A_8 = arith.extf %convert_element_type3A : vector<1000x128xbf16> to vector<1000x128xf32>
    %bitcast_convert_type3A = tpu.bitcast %convert_element_type3A_8 : vector<1000x128xf32> -> vector<1000x128xi32>
    %shift_right_logical3A = arith.constant 16 : i32
    %shift_right_logical3A_9 = vector.broadcast %shift_right_logical3A : i32 to vector<1000x128xi32>
    %shift_right_logical3A_10 = arith.shrui %bitcast_convert_type3A, %shift_right_logical3A_9 : vector<1000x128xi32>
    %slice3A_11 = vector.extract_strided_slice %dot_general3A_7 {offsets = [0, 128], sizes = [1000, 128], strides = [1, 1]} : vector<1000x256xf32> to vector<1000x128xf32>
    %convert_element_type3A_12 = arith.truncf %slice3A_11 : vector<1000x128xf32> to vector<1000x128xbf16>
    %convert_element_type3A_13 = arith.extf %convert_element_type3A_12 : vector<1000x128xbf16> to vector<1000x128xf32>
    %bitcast_convert_type3A_14 = tpu.bitcast %convert_element_type3A_13 : vector<1000x128xf32> -> vector<1000x128xi32>
    %and3A = arith.constant -65536 : i32
    %and3A_15 = vector.broadcast %and3A : i32 to vector<1000x128xi32>
    %and3A_16 = arith.andi %bitcast_convert_type3A_14, %and3A_15 : vector<1000x128xi32>
    %or3A = arith.ori %shift_right_logical3A_10, %and3A_16 : vector<1000x128xi32>
    %bitcast_convert_type3A_17 = tpu.bitcast %or3A : vector<1000x128xi32> -> vector<1000x128xf32>
    %swap3A = arith.constant 0 : index
    %swap3A_18 = arith.constant 0 : index
    %swap3A_19 = vector.load %arg4[%swap3A, %swap3A_18] : memref<1000x128xf32, #tpu.memory_space<vmem>>, vector<1000x128xf32>
    tpu.vector_store %arg4[%swap3A, %swap3A_18], %bitcast_convert_type3A_17 {strides = array<i32>} : memref<1000x128xf32, #tpu.memory_space<vmem>>, vector<1000x128xf32>,
    return
  }
  func.func @transform_0(%arg0: i32, %arg1: i32) -> (i32, i32) {
    %c0_i32 = arith.constant 0 : i32
    %c0_i32_0 = arith.constant 0 : i32
    return %arg1, %c0_i32 : i32, i32
  }
  func.func @transform_1(%arg0: i32, %arg1: i32) -> (i32, i32, i32) {
    %c0_i32 = arith.constant 0 : i32
    %c0_i32_0 = arith.constant 0 : i32
    %c0_i32_1 = arith.constant 0 : i32
    return %arg0, %c0_i32, %c0_i32_0 : i32, i32, i32
  }
  func.func @transform_2(%arg0: i32, %arg1: i32) -> (i32, i32) {
    %mul3A = arith.constant 10 : i32
    %mul3A_0 = arith.muli %arg0, %mul3A : i32
    %add3A = arith.addi %mul3A_0, %arg1 : i32
    %c0_i32 = arith.constant 0 : i32
    %c0_i32_1 = arith.constant 0 : i32
    return %add3A, %c0_i32 : i32, i32
  }
}

module attributes {stable_mosaic.version = 14 : i64} {
  func.func @_edge_body(%arg0: i32, %arg1: memref<1280x256xf32, #tpu.memory_space<vmem>>, %arg2: memref<1280x128xf32, #tpu.memory_space<vmem>>, %arg3: memref<1280x128xf32, #tpu.memory_space<vmem>>, %arg4: memref<256x256xbf16, #tpu.memory_space<vmem>>, %arg5: memref<128x256xbf16, #tpu.memory_space<vmem>>, %arg6: memref<128x256xbf16, #tpu.memory_space<vmem>>, %arg7: memref<1x256xf32, #tpu.memory_space<vmem>>, %arg8: memref<1x256xf32, #tpu.memory_space<vmem>>, %arg9: memref<1x256xf32, #tpu.memory_space<vmem>>, %arg10: memref<1x256xf32, #tpu.memory_space<vmem>>, %arg11: memref<1280x256xf32, #tpu.memory_space<vmem>>) attributes {dimension_semantics = [#tpu.dimension_semantics<arbitrary>], iteration_bounds = array<i64: 16>, scalar_prefetch = 0 : i64, scratch_operands = 0 : i64, tpu.core_type = #tpu.core_type<tc>, window_params = [{transform_indices = @transform_0, window_bounds = array<i64: 1280, 256>}, {transform_indices = @transform_1, window_bounds = array<i64: 1280, 128>}, {transform_indices = @transform_2, window_bounds = array<i64: 1280, 128>}, {pipeline_mode = #tpu.pipeline_mode<synchronous>, transform_indices = @transform_3, window_bounds = array<i64: 256, 256>}, {pipeline_mode = #tpu.pipeline_mode<synchronous>, transform_indices = @transform_4, window_bounds = array<i64: 128, 256>}, {pipeline_mode = #tpu.pipeline_mode<synchronous>, transform_indices = @transform_5, window_bounds = array<i64: 128, 256>}, {pipeline_mode = #tpu.pipeline_mode<synchronous>, transform_indices = @transform_6, window_bounds = array<i64: 1, 256>}, {pipeline_mode = #tpu.pipeline_mode<synchronous>, transform_indices = @transform_7, window_bounds = array<i64: 1, 256>}, {pipeline_mode = #tpu.pipeline_mode<synchronous>, transform_indices = @transform_8, window_bounds = array<i64: 1, 256>}, {pipeline_mode = #tpu.pipeline_mode<synchronous>, transform_indices = @transform_9, window_bounds = array<i64: 1, 256>}, {transform_indices = @transform_10, window_bounds = array<i64: 1280, 256>}]} {
    %get3A = arith.constant 0 : index
    %get3A_0 = arith.constant 0 : index
    %get3A_1 = vector.load %arg1[%get3A, %get3A_0] : memref<1280x256xf32, #tpu.memory_space<vmem>>, vector<1280x256xf32>
    %get3A_2 = arith.constant 0 : index
    %get3A_3 = arith.constant 0 : index
    %get3A_4 = vector.load %arg2[%get3A_2, %get3A_3] : memref<1280x128xf32, #tpu.memory_space<vmem>>, vector<1280x128xf32>
    %bitcast_convert_type3A = tpu.bitcast %get3A_4 : vector<1280x128xf32> -> vector<1280x128xi32>
    %shift_left3A = arith.constant 16 : i32
    %shift_left3A_5 = vector.broadcast %shift_left3A : i32 to vector<1280x128xi32>
    %shift_left3A_6 = arith.shli %bitcast_convert_type3A, %shift_left3A_5 : vector<1280x128xi32>
    %bitcast_convert_type3A_7 = tpu.bitcast %shift_left3A_6 : vector<1280x128xi32> -> vector<1280x128xf32>
    %and3A = arith.constant -65536 : i32
    %and3A_8 = vector.broadcast %and3A : i32 to vector<1280x128xi32>
    %and3A_9 = arith.andi %bitcast_convert_type3A, %and3A_8 : vector<1280x128xi32>
    %bitcast_convert_type3A_10 = tpu.bitcast %and3A_9 : vector<1280x128xi32> -> vector<1280x128xf32>
    %get3A_11 = arith.constant 0 : index
    %get3A_12 = arith.constant 0 : index
    %get3A_13 = vector.load %arg3[%get3A_11, %get3A_12] : memref<1280x128xf32, #tpu.memory_space<vmem>>, vector<1280x128xf32>
    %bitcast_convert_type3A_14 = tpu.bitcast %get3A_13 : vector<1280x128xf32> -> vector<1280x128xi32>
    %shift_left3A_15 = arith.constant 16 : i32
    %shift_left3A_16 = vector.broadcast %shift_left3A_15 : i32 to vector<1280x128xi32>
    %shift_left3A_17 = arith.shli %bitcast_convert_type3A_14, %shift_left3A_16 : vector<1280x128xi32>
    %bitcast_convert_type3A_18 = tpu.bitcast %shift_left3A_17 : vector<1280x128xi32> -> vector<1280x128xf32>
    %and3A_19 = arith.constant -65536 : i32
    %and3A_20 = vector.broadcast %and3A_19 : i32 to vector<1280x128xi32>
    %and3A_21 = arith.andi %bitcast_convert_type3A_14, %and3A_20 : vector<1280x128xi32>
    %bitcast_convert_type3A_22 = tpu.bitcast %and3A_21 : vector<1280x128xi32> -> vector<1280x128xf32>
    %convert_element_type3A = arith.truncf %get3A_1 : vector<1280x256xf32> to vector<1280x256xbf16>
    %get3A_23 = arith.constant 0 : index
    %get3A_24 = arith.constant 0 : index
    %get3A_25 = vector.load %arg4[%get3A_23, %get3A_24] : memref<256x256xbf16, #tpu.memory_space<vmem>>, vector<256x256xbf16>
    %dot_general3A = arith.constant dense<0.000000e+00> : vector<1280x256xf32>
    %dot_general3A_26 = tpu.matmul %convert_element_type3A, %get3A_25, %dot_general3A {dimension_numbers = #tpu.dot_dimension_numbers<[1], [0], [0], [1], [0, 0, 1, 1], [], []>, transpose_lhs_hint = false} : vector<1280x256xbf16>, vector<256x256xbf16>, vector<1280x256xf32> -> vector<1280x256xf32>
    %slice3A = vector.extract_strided_slice %dot_general3A_26 {offsets = [0, 0], sizes = [1280, 128], strides = [1, 1]} : vector<1280x256xf32> to vector<1280x128xf32>
    %add3A = arith.addf %slice3A, %bitcast_convert_type3A_7 : vector<1280x128xf32>
    %add3A_27 = arith.addf %add3A, %bitcast_convert_type3A_18 : vector<1280x128xf32>
    %get3A_28 = arith.constant 0 : index
    %get3A_29 = arith.constant 0 : index
    %get3A_30 = vector.load %arg7[%get3A_28, %get3A_29] : memref<1x256xf32, #tpu.memory_space<vmem>>, vector<1x128xf32>
    %add3A_31 = vector.broadcast %get3A_30 : vector<1x128xf32> to vector<1280x128xf32>
    %add3A_32 = arith.addf %add3A_27, %add3A_31 : vector<1280x128xf32>
    %slice3A_33 = vector.extract_strided_slice %dot_general3A_26 {offsets = [0, 128], sizes = [1280, 128], strides = [1, 1]} : vector<1280x256xf32> to vector<1280x128xf32>
    %add3A_34 = arith.addf %slice3A_33, %bitcast_convert_type3A_10 : vector<1280x128xf32>
    %add3A_35 = arith.addf %add3A_34, %bitcast_convert_type3A_22 : vector<1280x128xf32>
    %get3A_36 = arith.constant 0 : index
    %get3A_37 = arith.constant 128 : index
    %get3A_38 = vector.load %arg7[%get3A_36, %get3A_37] : memref<1x256xf32, #tpu.memory_space<vmem>>, vector<1x128xf32>
    %add3A_39 = vector.broadcast %get3A_38 : vector<1x128xf32> to vector<1280x128xf32>
    %add3A_40 = arith.addf %add3A_35, %add3A_39 : vector<1280x128xf32>
    %logistic3A = arith.negf %add3A_32 : vector<1280x128xf32>
    %logistic3A_41 = math.exp %logistic3A : vector<1280x128xf32>
    %logistic3A_42 = arith.constant 1.000000e+00 : f32
    %logistic3A_43 = vector.broadcast %logistic3A_42 : f32 to vector<1280x128xf32>
    %logistic3A_44 = arith.addf %logistic3A_43, %logistic3A_41 : vector<1280x128xf32>
    %logistic3A_45 = arith.divf %logistic3A_43, %logistic3A_44 : vector<1280x128xf32>
    %mul3A = arith.mulf %add3A_32, %logistic3A_45 : vector<1280x128xf32>
    %logistic3A_46 = arith.negf %add3A_40 : vector<1280x128xf32>
    %logistic3A_47 = math.exp %logistic3A_46 : vector<1280x128xf32>
    %logistic3A_48 = arith.constant 1.000000e+00 : f32
    %logistic3A_49 = vector.broadcast %logistic3A_48 : f32 to vector<1280x128xf32>
    %logistic3A_50 = arith.addf %logistic3A_49, %logistic3A_47 : vector<1280x128xf32>
    %logistic3A_51 = arith.divf %logistic3A_49, %logistic3A_50 : vector<1280x128xf32>
    %mul3A_52 = arith.mulf %add3A_40, %logistic3A_51 : vector<1280x128xf32>
    %convert_element_type3A_53 = arith.truncf %mul3A : vector<1280x128xf32> to vector<1280x128xbf16>
    %get3A_54 = arith.constant 0 : index
    %get3A_55 = arith.constant 0 : index
    %get3A_56 = vector.load %arg5[%get3A_54, %get3A_55] : memref<128x256xbf16, #tpu.memory_space<vmem>>, vector<128x256xbf16>
    %dot_general3A_57 = arith.constant dense<0.000000e+00> : vector<1280x256xf32>
    %dot_general3A_58 = tpu.matmul %convert_element_type3A_53, %get3A_56, %dot_general3A_57 {dimension_numbers = #tpu.dot_dimension_numbers<[1], [0], [0], [1], [0, 0, 1, 1], [], []>, transpose_lhs_hint = false} : vector<1280x128xbf16>, vector<128x256xbf16>, vector<1280x256xf32> -> vector<1280x256xf32>
    %convert_element_type3A_59 = arith.truncf %mul3A_52 : vector<1280x128xf32> to vector<1280x128xbf16>
    %get3A_60 = arith.constant 0 : index
    %get3A_61 = arith.constant 0 : index
    %get3A_62 = vector.load %arg6[%get3A_60, %get3A_61] : memref<128x256xbf16, #tpu.memory_space<vmem>>, vector<128x256xbf16>
    %dot_general3A_63 = arith.constant dense<0.000000e+00> : vector<1280x256xf32>
    %dot_general3A_64 = tpu.matmul %convert_element_type3A_59, %get3A_62, %dot_general3A_63 {dimension_numbers = #tpu.dot_dimension_numbers<[1], [0], [0], [1], [0, 0, 1, 1], [], []>, transpose_lhs_hint = false} : vector<1280x128xbf16>, vector<128x256xbf16>, vector<1280x256xf32> -> vector<1280x256xf32>
    %add3A_65 = arith.addf %dot_general3A_58, %dot_general3A_64 : vector<1280x256xf32>
    %get3A_66 = arith.constant 0 : index
    %get3A_67 = arith.constant 0 : index
    %get3A_68 = vector.load %arg8[%get3A_66, %get3A_67] : memref<1x256xf32, #tpu.memory_space<vmem>>, vector<1x256xf32>
    %add3A_69 = vector.broadcast %get3A_68 : vector<1x256xf32> to vector<1280x256xf32>
    %add3A_70 = arith.addf %add3A_65, %add3A_69 : vector<1280x256xf32>
    %reduce_sum3A = arith.constant dense<0.000000e+00> : vector<1280xf32>
    %reduce_sum3A_71 = vector.multi_reduction <add>, %add3A_70, %reduce_sum3A [1] : vector<1280x256xf32> to vector<1280xf32>
    %broadcast_in_dim3A = vector.shape_cast %reduce_sum3A_71 : vector<1280xf32> to vector<1280x1xf32>
    %div3A = arith.constant 2.560000e+02 : f32
    %div3A_72 = vector.broadcast %div3A : f32 to vector<1280x1xf32>
    %div3A_73 = arith.divf %broadcast_in_dim3A, %div3A_72 : vector<1280x1xf32>
    %sub3A = vector.broadcast %div3A_73 : vector<1280x1xf32> to vector<1280x256xf32>
    %sub3A_74 = arith.subf %add3A_70, %sub3A : vector<1280x256xf32>
    %mul3A_75 = arith.mulf %sub3A_74, %sub3A_74 : vector<1280x256xf32>
    %reduce_sum3A_76 = arith.constant dense<0.000000e+00> : vector<1280xf32>
    %reduce_sum3A_77 = vector.multi_reduction <add>, %mul3A_75, %reduce_sum3A_76 [1] : vector<1280x256xf32> to vector<1280xf32>
    %broadcast_in_dim3A_78 = vector.shape_cast %reduce_sum3A_77 : vector<1280xf32> to vector<1280x1xf32>
    %div3A_79 = arith.constant 2.560000e+02 : f32
    %div3A_80 = vector.broadcast %div3A_79 : f32 to vector<1280x1xf32>
    %div3A_81 = arith.divf %broadcast_in_dim3A_78, %div3A_80 : vector<1280x1xf32>
    %add3A_82 = arith.constant 9.99999974E-6 : f32
    %add3A_83 = vector.broadcast %add3A_82 : f32 to vector<1280x1xf32>
    %add3A_84 = arith.addf %div3A_81, %add3A_83 : vector<1280x1xf32>
    %rsqrt3A = math.rsqrt %add3A_84 : vector<1280x1xf32>
    %mul3A_85 = vector.broadcast %rsqrt3A : vector<1280x1xf32> to vector<1280x256xf32>
    %mul3A_86 = arith.mulf %sub3A_74, %mul3A_85 : vector<1280x256xf32>
    %get3A_87 = arith.constant 0 : index
    %get3A_88 = arith.constant 0 : index
    %get3A_89 = vector.load %arg9[%get3A_87, %get3A_88] : memref<1x256xf32, #tpu.memory_space<vmem>>, vector<1x256xf32>
    %mul3A_90 = vector.broadcast %get3A_89 : vector<1x256xf32> to vector<1280x256xf32>
    %mul3A_91 = arith.mulf %mul3A_86, %mul3A_90 : vector<1280x256xf32>
    %get3A_92 = arith.constant 0 : index
    %get3A_93 = arith.constant 0 : index
    %get3A_94 = vector.load %arg10[%get3A_92, %get3A_93] : memref<1x256xf32, #tpu.memory_space<vmem>>, vector<1x256xf32>
    %add3A_95 = vector.broadcast %get3A_94 : vector<1x256xf32> to vector<1280x256xf32>
    %add3A_96 = arith.addf %mul3A_91, %add3A_95 : vector<1280x256xf32>
    %add3A_97 = arith.addf %add3A_96, %get3A_1 : vector<1280x256xf32>
    %swap3A = arith.constant 0 : index
    %swap3A_98 = arith.constant 0 : index
    %swap3A_99 = vector.load %arg11[%swap3A, %swap3A_98] : memref<1280x256xf32, #tpu.memory_space<vmem>>, vector<1280x256xf32>
    tpu.vector_store %arg11[%swap3A, %swap3A_98], %add3A_97 {strides = array<i32>} : memref<1280x256xf32, #tpu.memory_space<vmem>>, vector<1280x256xf32>,
    return
  }
  func.func @transform_0(%arg0: i32) -> (i32, i32) {
    %add3A = arith.constant 0 : i32
    %add3A_0 = arith.addi %arg0, %add3A : i32
    %c0_i32 = arith.constant 0 : i32
    %c0_i32_1 = arith.constant 0 : i32
    return %add3A_0, %c0_i32 : i32, i32
  }
  func.func @transform_1(%arg0: i32) -> (i32, i32) {
    %c0_i32 = arith.constant 0 : i32
    %c0_i32_0 = arith.constant 0 : i32
    return %arg0, %c0_i32 : i32, i32
  }
  func.func @transform_2(%arg0: i32) -> (i32, i32) {
    %add3A = arith.constant 16 : i32
    %add3A_0 = arith.addi %arg0, %add3A : i32
    %c0_i32 = arith.constant 0 : i32
    %c0_i32_1 = arith.constant 0 : i32
    return %add3A_0, %c0_i32 : i32, i32
  }
  func.func @transform_3(%arg0: i32) -> (i32, i32) {
    %c0_i32 = arith.constant 0 : i32
    %c0_i32_0 = arith.constant 0 : i32
    %c0_i32_1 = arith.constant 0 : i32
    return %c0_i32, %c0_i32_0 : i32, i32
  }
  func.func @transform_4(%arg0: i32) -> (i32, i32) {
    %c0_i32 = arith.constant 0 : i32
    %c0_i32_0 = arith.constant 0 : i32
    %c0_i32_1 = arith.constant 0 : i32
    return %c0_i32, %c0_i32_0 : i32, i32
  }
  func.func @transform_5(%arg0: i32) -> (i32, i32) {
    %c0_i32 = arith.constant 0 : i32
    %c0_i32_0 = arith.constant 0 : i32
    %c0_i32_1 = arith.constant 0 : i32
    return %c0_i32, %c0_i32_0 : i32, i32
  }
  func.func @transform_6(%arg0: i32) -> (i32, i32) {
    %c0_i32 = arith.constant 0 : i32
    %c0_i32_0 = arith.constant 0 : i32
    %c0_i32_1 = arith.constant 0 : i32
    return %c0_i32, %c0_i32_0 : i32, i32
  }
  func.func @transform_7(%arg0: i32) -> (i32, i32) {
    %c0_i32 = arith.constant 0 : i32
    %c0_i32_0 = arith.constant 0 : i32
    %c0_i32_1 = arith.constant 0 : i32
    return %c0_i32, %c0_i32_0 : i32, i32
  }
  func.func @transform_8(%arg0: i32) -> (i32, i32) {
    %c0_i32 = arith.constant 0 : i32
    %c0_i32_0 = arith.constant 0 : i32
    %c0_i32_1 = arith.constant 0 : i32
    return %c0_i32, %c0_i32_0 : i32, i32
  }
  func.func @transform_9(%arg0: i32) -> (i32, i32) {
    %c0_i32 = arith.constant 0 : i32
    %c0_i32_0 = arith.constant 0 : i32
    %c0_i32_1 = arith.constant 0 : i32
    return %c0_i32, %c0_i32_0 : i32, i32
  }
  func.func @transform_10(%arg0: i32) -> (i32, i32) {
    %add3A = arith.constant 0 : i32
    %add3A_0 = arith.addi %arg0, %add3A : i32
    %c0_i32 = arith.constant 0 : i32
    %c0_i32_1 = arith.constant 0 : i32
    return %add3A_0, %c0_i32 : i32, i32
  }
}

module attributes {stable_mosaic.version = 14 : i64} {
  func.func @_edge_body_alias(%arg0: i32, %arg1: memref<8x256xf32, #tpu.memory_space<vmem>>, %arg2: memref<1280x256xf32, #tpu.memory_space<vmem>>, %arg3: memref<1280x128xf32, #tpu.memory_space<vmem>>, %arg4: memref<1280x128xf32, #tpu.memory_space<vmem>>, %arg5: memref<256x256xbf16, #tpu.memory_space<vmem>>, %arg6: memref<128x256xbf16, #tpu.memory_space<vmem>>, %arg7: memref<128x256xbf16, #tpu.memory_space<vmem>>, %arg8: memref<1x256xf32, #tpu.memory_space<vmem>>, %arg9: memref<1x256xf32, #tpu.memory_space<vmem>>, %arg10: memref<1x256xf32, #tpu.memory_space<vmem>>, %arg11: memref<1x256xf32, #tpu.memory_space<vmem>>, %arg12: memref<1280x256xf32, #tpu.memory_space<vmem>>) attributes {dimension_semantics = [#tpu.dimension_semantics<arbitrary>], iteration_bounds = array<i64: 48>, scalar_prefetch = 0 : i64, scratch_operands = 0 : i64, tpu.core_type = #tpu.core_type<tc>, window_params = [{transform_indices = @transform_0, window_bounds = array<i64: 8, 256>}, {transform_indices = @transform_1, window_bounds = array<i64: 1280, 256>}, {transform_indices = @transform_2, window_bounds = array<i64: 1280, 128>}, {transform_indices = @transform_3, window_bounds = array<i64: 1280, 128>}, {pipeline_mode = #tpu.pipeline_mode<synchronous>, transform_indices = @transform_4, window_bounds = array<i64: 256, 256>}, {pipeline_mode = #tpu.pipeline_mode<synchronous>, transform_indices = @transform_5, window_bounds = array<i64: 128, 256>}, {pipeline_mode = #tpu.pipeline_mode<synchronous>, transform_indices = @transform_6, window_bounds = array<i64: 128, 256>}, {pipeline_mode = #tpu.pipeline_mode<synchronous>, transform_indices = @transform_7, window_bounds = array<i64: 1, 256>}, {pipeline_mode = #tpu.pipeline_mode<synchronous>, transform_indices = @transform_8, window_bounds = array<i64: 1, 256>}, {pipeline_mode = #tpu.pipeline_mode<synchronous>, transform_indices = @transform_9, window_bounds = array<i64: 1, 256>}, {pipeline_mode = #tpu.pipeline_mode<synchronous>, transform_indices = @transform_10, window_bounds = array<i64: 1, 256>}, {transform_indices = @transform_11, window_bounds = array<i64: 1280, 256>}]} {
    %get3A = arith.constant 0 : index
    %get3A_0 = arith.constant 0 : index
    %get3A_1 = vector.load %arg2[%get3A, %get3A_0] : memref<1280x256xf32, #tpu.memory_space<vmem>>, vector<1280x256xf32>
    %get3A_2 = arith.constant 0 : index
    %get3A_3 = arith.constant 0 : index
    %get3A_4 = vector.load %arg3[%get3A_2, %get3A_3] : memref<1280x128xf32, #tpu.memory_space<vmem>>, vector<1280x128xf32>
    %bitcast_convert_type3A = tpu.bitcast %get3A_4 : vector<1280x128xf32> -> vector<1280x128xi32>
    %shift_left3A = arith.constant 16 : i32
    %shift_left3A_5 = vector.broadcast %shift_left3A : i32 to vector<1280x128xi32>
    %shift_left3A_6 = arith.shli %bitcast_convert_type3A, %shift_left3A_5 : vector<1280x128xi32>
    %bitcast_convert_type3A_7 = tpu.bitcast %shift_left3A_6 : vector<1280x128xi32> -> vector<1280x128xf32>
    %and3A = arith.constant -65536 : i32
    %and3A_8 = vector.broadcast %and3A : i32 to vector<1280x128xi32>
    %and3A_9 = arith.andi %bitcast_convert_type3A, %and3A_8 : vector<1280x128xi32>
    %bitcast_convert_type3A_10 = tpu.bitcast %and3A_9 : vector<1280x128xi32> -> vector<1280x128xf32>
    %get3A_11 = arith.constant 0 : index
    %get3A_12 = arith.constant 0 : index
    %get3A_13 = vector.load %arg4[%get3A_11, %get3A_12] : memref<1280x128xf32, #tpu.memory_space<vmem>>, vector<1280x128xf32>
    %bitcast_convert_type3A_14 = tpu.bitcast %get3A_13 : vector<1280x128xf32> -> vector<1280x128xi32>
    %shift_left3A_15 = arith.constant 16 : i32
    %shift_left3A_16 = vector.broadcast %shift_left3A_15 : i32 to vector<1280x128xi32>
    %shift_left3A_17 = arith.shli %bitcast_convert_type3A_14, %shift_left3A_16 : vector<1280x128xi32>
    %bitcast_convert_type3A_18 = tpu.bitcast %shift_left3A_17 : vector<1280x128xi32> -> vector<1280x128xf32>
    %and3A_19 = arith.constant -65536 : i32
    %and3A_20 = vector.broadcast %and3A_19 : i32 to vector<1280x128xi32>
    %and3A_21 = arith.andi %bitcast_convert_type3A_14, %and3A_20 : vector<1280x128xi32>
    %bitcast_convert_type3A_22 = tpu.bitcast %and3A_21 : vector<1280x128xi32> -> vector<1280x128xf32>
    %convert_element_type3A = arith.truncf %get3A_1 : vector<1280x256xf32> to vector<1280x256xbf16>
    %get3A_23 = arith.constant 0 : index
    %get3A_24 = arith.constant 0 : index
    %get3A_25 = vector.load %arg5[%get3A_23, %get3A_24] : memref<256x256xbf16, #tpu.memory_space<vmem>>, vector<256x256xbf16>
    %dot_general3A = arith.constant dense<0.000000e+00> : vector<1280x256xf32>
    %dot_general3A_26 = tpu.matmul %convert_element_type3A, %get3A_25, %dot_general3A {dimension_numbers = #tpu.dot_dimension_numbers<[1], [0], [0], [1], [0, 0, 1, 1], [], []>, transpose_lhs_hint = false} : vector<1280x256xbf16>, vector<256x256xbf16>, vector<1280x256xf32> -> vector<1280x256xf32>
    %slice3A = vector.extract_strided_slice %dot_general3A_26 {offsets = [0, 0], sizes = [1280, 128], strides = [1, 1]} : vector<1280x256xf32> to vector<1280x128xf32>
    %add3A = arith.addf %slice3A, %bitcast_convert_type3A_7 : vector<1280x128xf32>
    %add3A_27 = arith.addf %add3A, %bitcast_convert_type3A_18 : vector<1280x128xf32>
    %get3A_28 = arith.constant 0 : index
    %get3A_29 = arith.constant 0 : index
    %get3A_30 = vector.load %arg8[%get3A_28, %get3A_29] : memref<1x256xf32, #tpu.memory_space<vmem>>, vector<1x128xf32>
    %add3A_31 = vector.broadcast %get3A_30 : vector<1x128xf32> to vector<1280x128xf32>
    %add3A_32 = arith.addf %add3A_27, %add3A_31 : vector<1280x128xf32>
    %slice3A_33 = vector.extract_strided_slice %dot_general3A_26 {offsets = [0, 128], sizes = [1280, 128], strides = [1, 1]} : vector<1280x256xf32> to vector<1280x128xf32>
    %add3A_34 = arith.addf %slice3A_33, %bitcast_convert_type3A_10 : vector<1280x128xf32>
    %add3A_35 = arith.addf %add3A_34, %bitcast_convert_type3A_22 : vector<1280x128xf32>
    %get3A_36 = arith.constant 0 : index
    %get3A_37 = arith.constant 128 : index
    %get3A_38 = vector.load %arg8[%get3A_36, %get3A_37] : memref<1x256xf32, #tpu.memory_space<vmem>>, vector<1x128xf32>
    %add3A_39 = vector.broadcast %get3A_38 : vector<1x128xf32> to vector<1280x128xf32>
    %add3A_40 = arith.addf %add3A_35, %add3A_39 : vector<1280x128xf32>
    %logistic3A = arith.negf %add3A_32 : vector<1280x128xf32>
    %logistic3A_41 = math.exp %logistic3A : vector<1280x128xf32>
    %logistic3A_42 = arith.constant 1.000000e+00 : f32
    %logistic3A_43 = vector.broadcast %logistic3A_42 : f32 to vector<1280x128xf32>
    %logistic3A_44 = arith.addf %logistic3A_43, %logistic3A_41 : vector<1280x128xf32>
    %logistic3A_45 = arith.divf %logistic3A_43, %logistic3A_44 : vector<1280x128xf32>
    %mul3A = arith.mulf %add3A_32, %logistic3A_45 : vector<1280x128xf32>
    %logistic3A_46 = arith.negf %add3A_40 : vector<1280x128xf32>
    %logistic3A_47 = math.exp %logistic3A_46 : vector<1280x128xf32>
    %logistic3A_48 = arith.constant 1.000000e+00 : f32
    %logistic3A_49 = vector.broadcast %logistic3A_48 : f32 to vector<1280x128xf32>
    %logistic3A_50 = arith.addf %logistic3A_49, %logistic3A_47 : vector<1280x128xf32>
    %logistic3A_51 = arith.divf %logistic3A_49, %logistic3A_50 : vector<1280x128xf32>
    %mul3A_52 = arith.mulf %add3A_40, %logistic3A_51 : vector<1280x128xf32>
    %convert_element_type3A_53 = arith.truncf %mul3A : vector<1280x128xf32> to vector<1280x128xbf16>
    %get3A_54 = arith.constant 0 : index
    %get3A_55 = arith.constant 0 : index
    %get3A_56 = vector.load %arg6[%get3A_54, %get3A_55] : memref<128x256xbf16, #tpu.memory_space<vmem>>, vector<128x256xbf16>
    %dot_general3A_57 = arith.constant dense<0.000000e+00> : vector<1280x256xf32>
    %dot_general3A_58 = tpu.matmul %convert_element_type3A_53, %get3A_56, %dot_general3A_57 {dimension_numbers = #tpu.dot_dimension_numbers<[1], [0], [0], [1], [0, 0, 1, 1], [], []>, transpose_lhs_hint = false} : vector<1280x128xbf16>, vector<128x256xbf16>, vector<1280x256xf32> -> vector<1280x256xf32>
    %convert_element_type3A_59 = arith.truncf %mul3A_52 : vector<1280x128xf32> to vector<1280x128xbf16>
    %get3A_60 = arith.constant 0 : index
    %get3A_61 = arith.constant 0 : index
    %get3A_62 = vector.load %arg7[%get3A_60, %get3A_61] : memref<128x256xbf16, #tpu.memory_space<vmem>>, vector<128x256xbf16>
    %dot_general3A_63 = arith.constant dense<0.000000e+00> : vector<1280x256xf32>
    %dot_general3A_64 = tpu.matmul %convert_element_type3A_59, %get3A_62, %dot_general3A_63 {dimension_numbers = #tpu.dot_dimension_numbers<[1], [0], [0], [1], [0, 0, 1, 1], [], []>, transpose_lhs_hint = false} : vector<1280x128xbf16>, vector<128x256xbf16>, vector<1280x256xf32> -> vector<1280x256xf32>
    %add3A_65 = arith.addf %dot_general3A_58, %dot_general3A_64 : vector<1280x256xf32>
    %get3A_66 = arith.constant 0 : index
    %get3A_67 = arith.constant 0 : index
    %get3A_68 = vector.load %arg9[%get3A_66, %get3A_67] : memref<1x256xf32, #tpu.memory_space<vmem>>, vector<1x256xf32>
    %add3A_69 = vector.broadcast %get3A_68 : vector<1x256xf32> to vector<1280x256xf32>
    %add3A_70 = arith.addf %add3A_65, %add3A_69 : vector<1280x256xf32>
    %reduce_sum3A = arith.constant dense<0.000000e+00> : vector<1280xf32>
    %reduce_sum3A_71 = vector.multi_reduction <add>, %add3A_70, %reduce_sum3A [1] : vector<1280x256xf32> to vector<1280xf32>
    %broadcast_in_dim3A = vector.shape_cast %reduce_sum3A_71 : vector<1280xf32> to vector<1280x1xf32>
    %div3A = arith.constant 2.560000e+02 : f32
    %div3A_72 = vector.broadcast %div3A : f32 to vector<1280x1xf32>
    %div3A_73 = arith.divf %broadcast_in_dim3A, %div3A_72 : vector<1280x1xf32>
    %sub3A = vector.broadcast %div3A_73 : vector<1280x1xf32> to vector<1280x256xf32>
    %sub3A_74 = arith.subf %add3A_70, %sub3A : vector<1280x256xf32>
    %mul3A_75 = arith.mulf %sub3A_74, %sub3A_74 : vector<1280x256xf32>
    %reduce_sum3A_76 = arith.constant dense<0.000000e+00> : vector<1280xf32>
    %reduce_sum3A_77 = vector.multi_reduction <add>, %mul3A_75, %reduce_sum3A_76 [1] : vector<1280x256xf32> to vector<1280xf32>
    %broadcast_in_dim3A_78 = vector.shape_cast %reduce_sum3A_77 : vector<1280xf32> to vector<1280x1xf32>
    %div3A_79 = arith.constant 2.560000e+02 : f32
    %div3A_80 = vector.broadcast %div3A_79 : f32 to vector<1280x1xf32>
    %div3A_81 = arith.divf %broadcast_in_dim3A_78, %div3A_80 : vector<1280x1xf32>
    %add3A_82 = arith.constant 9.99999974E-6 : f32
    %add3A_83 = vector.broadcast %add3A_82 : f32 to vector<1280x1xf32>
    %add3A_84 = arith.addf %div3A_81, %add3A_83 : vector<1280x1xf32>
    %rsqrt3A = math.rsqrt %add3A_84 : vector<1280x1xf32>
    %mul3A_85 = vector.broadcast %rsqrt3A : vector<1280x1xf32> to vector<1280x256xf32>
    %mul3A_86 = arith.mulf %sub3A_74, %mul3A_85 : vector<1280x256xf32>
    %get3A_87 = arith.constant 0 : index
    %get3A_88 = arith.constant 0 : index
    %get3A_89 = vector.load %arg10[%get3A_87, %get3A_88] : memref<1x256xf32, #tpu.memory_space<vmem>>, vector<1x256xf32>
    %mul3A_90 = vector.broadcast %get3A_89 : vector<1x256xf32> to vector<1280x256xf32>
    %mul3A_91 = arith.mulf %mul3A_86, %mul3A_90 : vector<1280x256xf32>
    %get3A_92 = arith.constant 0 : index
    %get3A_93 = arith.constant 0 : index
    %get3A_94 = vector.load %arg11[%get3A_92, %get3A_93] : memref<1x256xf32, #tpu.memory_space<vmem>>, vector<1x256xf32>
    %add3A_95 = vector.broadcast %get3A_94 : vector<1x256xf32> to vector<1280x256xf32>
    %add3A_96 = arith.addf %mul3A_91, %add3A_95 : vector<1280x256xf32>
    %add3A_97 = arith.addf %add3A_96, %get3A_1 : vector<1280x256xf32>
    %swap3A = arith.constant 0 : index
    %swap3A_98 = arith.constant 0 : index
    %swap3A_99 = vector.load %arg12[%swap3A, %swap3A_98] : memref<1280x256xf32, #tpu.memory_space<vmem>>, vector<1280x256xf32>
    tpu.vector_store %arg12[%swap3A, %swap3A_98], %add3A_97 {strides = array<i32>} : memref<1280x256xf32, #tpu.memory_space<vmem>>, vector<1280x256xf32>,
    return
  }
  func.func @transform_0(%arg0: i32) -> (i32, i32) {
    %c0_i32 = arith.constant 0 : i32
    %c0_i32_0 = arith.constant 0 : i32
    %c0_i32_1 = arith.constant 0 : i32
    return %c0_i32, %c0_i32_0 : i32, i32
  }
  func.func @transform_1(%arg0: i32) -> (i32, i32) {
    %add3A = arith.constant 16 : i32
    %add3A_0 = arith.addi %arg0, %add3A : i32
    %c0_i32 = arith.constant 0 : i32
    %c0_i32_1 = arith.constant 0 : i32
    return %add3A_0, %c0_i32 : i32, i32
  }
  func.func @transform_2(%arg0: i32) -> (i32, i32) {
    %c0_i32 = arith.constant 0 : i32
    %c0_i32_0 = arith.constant 0 : i32
    return %arg0, %c0_i32 : i32, i32
  }
  func.func @transform_3(%arg0: i32) -> (i32, i32) {
    %add3A = arith.constant 48 : i32
    %add3A_0 = arith.addi %arg0, %add3A : i32
    %c0_i32 = arith.constant 0 : i32
    %c0_i32_1 = arith.constant 0 : i32
    return %add3A_0, %c0_i32 : i32, i32
  }
  func.func @transform_4(%arg0: i32) -> (i32, i32) {
    %c0_i32 = arith.constant 0 : i32
    %c0_i32_0 = arith.constant 0 : i32
    %c0_i32_1 = arith.constant 0 : i32
    return %c0_i32, %c0_i32_0 : i32, i32
  }
  func.func @transform_5(%arg0: i32) -> (i32, i32) {
    %c0_i32 = arith.constant 0 : i32
    %c0_i32_0 = arith.constant 0 : i32
    %c0_i32_1 = arith.constant 0 : i32
    return %c0_i32, %c0_i32_0 : i32, i32
  }
  func.func @transform_6(%arg0: i32) -> (i32, i32) {
    %c0_i32 = arith.constant 0 : i32
    %c0_i32_0 = arith.constant 0 : i32
    %c0_i32_1 = arith.constant 0 : i32
    return %c0_i32, %c0_i32_0 : i32, i32
  }
  func.func @transform_7(%arg0: i32) -> (i32, i32) {
    %c0_i32 = arith.constant 0 : i32
    %c0_i32_0 = arith.constant 0 : i32
    %c0_i32_1 = arith.constant 0 : i32
    return %c0_i32, %c0_i32_0 : i32, i32
  }
  func.func @transform_8(%arg0: i32) -> (i32, i32) {
    %c0_i32 = arith.constant 0 : i32
    %c0_i32_0 = arith.constant 0 : i32
    %c0_i32_1 = arith.constant 0 : i32
    return %c0_i32, %c0_i32_0 : i32, i32
  }
  func.func @transform_9(%arg0: i32) -> (i32, i32) {
    %c0_i32 = arith.constant 0 : i32
    %c0_i32_0 = arith.constant 0 : i32
    %c0_i32_1 = arith.constant 0 : i32
    return %c0_i32, %c0_i32_0 : i32, i32
  }
  func.func @transform_10(%arg0: i32) -> (i32, i32) {
    %c0_i32 = arith.constant 0 : i32
    %c0_i32_0 = arith.constant 0 : i32
    %c0_i32_1 = arith.constant 0 : i32
    return %c0_i32, %c0_i32_0 : i32, i32
  }
  func.func @transform_11(%arg0: i32) -> (i32, i32) {
    %add3A = arith.constant 16 : i32
    %add3A_0 = arith.addi %arg0, %add3A : i32
    %c0_i32 = arith.constant 0 : i32
    %c0_i32_1 = arith.constant 0 : i32
    return %add3A_0, %c0_i32 : i32, i32
  }
}

module attributes {stable_mosaic.version = 14 : i64} {
  func.func @_edge_body_alias(%arg0: i32, %arg1: memref<8x256xf32, #tpu.memory_space<vmem>>, %arg2: memref<1280x256xf32, #tpu.memory_space<vmem>>, %arg3: memref<1280x128xf32, #tpu.memory_space<vmem>>, %arg4: memref<1280x128xf32, #tpu.memory_space<vmem>>, %arg5: memref<256x256xbf16, #tpu.memory_space<vmem>>, %arg6: memref<128x256xbf16, #tpu.memory_space<vmem>>, %arg7: memref<128x256xbf16, #tpu.memory_space<vmem>>, %arg8: memref<1x256xf32, #tpu.memory_space<vmem>>, %arg9: memref<1x256xf32, #tpu.memory_space<vmem>>, %arg10: memref<1x256xf32, #tpu.memory_space<vmem>>, %arg11: memref<1x256xf32, #tpu.memory_space<vmem>>, %arg12: memref<1280x256xf32, #tpu.memory_space<vmem>>) attributes {dimension_semantics = [#tpu.dimension_semantics<arbitrary>], iteration_bounds = array<i64: 61>, scalar_prefetch = 0 : i64, scratch_operands = 0 : i64, tpu.core_type = #tpu.core_type<tc>, window_params = [{transform_indices = @transform_0, window_bounds = array<i64: 8, 256>}, {transform_indices = @transform_1, window_bounds = array<i64: 1280, 256>}, {transform_indices = @transform_2, window_bounds = array<i64: 1280, 128>}, {transform_indices = @transform_3, window_bounds = array<i64: 1280, 128>}, {pipeline_mode = #tpu.pipeline_mode<synchronous>, transform_indices = @transform_4, window_bounds = array<i64: 256, 256>}, {pipeline_mode = #tpu.pipeline_mode<synchronous>, transform_indices = @transform_5, window_bounds = array<i64: 128, 256>}, {pipeline_mode = #tpu.pipeline_mode<synchronous>, transform_indices = @transform_6, window_bounds = array<i64: 128, 256>}, {pipeline_mode = #tpu.pipeline_mode<synchronous>, transform_indices = @transform_7, window_bounds = array<i64: 1, 256>}, {pipeline_mode = #tpu.pipeline_mode<synchronous>, transform_indices = @transform_8, window_bounds = array<i64: 1, 256>}, {pipeline_mode = #tpu.pipeline_mode<synchronous>, transform_indices = @transform_9, window_bounds = array<i64: 1, 256>}, {pipeline_mode = #tpu.pipeline_mode<synchronous>, transform_indices = @transform_10, window_bounds = array<i64: 1, 256>}, {transform_indices = @transform_11, window_bounds = array<i64: 1280, 256>}]} {
    %get3A = arith.constant 0 : index
    %get3A_0 = arith.constant 0 : index
    %get3A_1 = vector.load %arg2[%get3A, %get3A_0] : memref<1280x256xf32, #tpu.memory_space<vmem>>, vector<1280x256xf32>
    %get3A_2 = arith.constant 0 : index
    %get3A_3 = arith.constant 0 : index
    %get3A_4 = vector.load %arg3[%get3A_2, %get3A_3] : memref<1280x128xf32, #tpu.memory_space<vmem>>, vector<1280x128xf32>
    %bitcast_convert_type3A = tpu.bitcast %get3A_4 : vector<1280x128xf32> -> vector<1280x128xi32>
    %shift_left3A = arith.constant 16 : i32
    %shift_left3A_5 = vector.broadcast %shift_left3A : i32 to vector<1280x128xi32>
    %shift_left3A_6 = arith.shli %bitcast_convert_type3A, %shift_left3A_5 : vector<1280x128xi32>
    %bitcast_convert_type3A_7 = tpu.bitcast %shift_left3A_6 : vector<1280x128xi32> -> vector<1280x128xf32>
    %and3A = arith.constant -65536 : i32
    %and3A_8 = vector.broadcast %and3A : i32 to vector<1280x128xi32>
    %and3A_9 = arith.andi %bitcast_convert_type3A, %and3A_8 : vector<1280x128xi32>
    %bitcast_convert_type3A_10 = tpu.bitcast %and3A_9 : vector<1280x128xi32> -> vector<1280x128xf32>
    %get3A_11 = arith.constant 0 : index
    %get3A_12 = arith.constant 0 : index
    %get3A_13 = vector.load %arg4[%get3A_11, %get3A_12] : memref<1280x128xf32, #tpu.memory_space<vmem>>, vector<1280x128xf32>
    %bitcast_convert_type3A_14 = tpu.bitcast %get3A_13 : vector<1280x128xf32> -> vector<1280x128xi32>
    %shift_left3A_15 = arith.constant 16 : i32
    %shift_left3A_16 = vector.broadcast %shift_left3A_15 : i32 to vector<1280x128xi32>
    %shift_left3A_17 = arith.shli %bitcast_convert_type3A_14, %shift_left3A_16 : vector<1280x128xi32>
    %bitcast_convert_type3A_18 = tpu.bitcast %shift_left3A_17 : vector<1280x128xi32> -> vector<1280x128xf32>
    %and3A_19 = arith.constant -65536 : i32
    %and3A_20 = vector.broadcast %and3A_19 : i32 to vector<1280x128xi32>
    %and3A_21 = arith.andi %bitcast_convert_type3A_14, %and3A_20 : vector<1280x128xi32>
    %bitcast_convert_type3A_22 = tpu.bitcast %and3A_21 : vector<1280x128xi32> -> vector<1280x128xf32>
    %convert_element_type3A = arith.truncf %get3A_1 : vector<1280x256xf32> to vector<1280x256xbf16>
    %get3A_23 = arith.constant 0 : index
    %get3A_24 = arith.constant 0 : index
    %get3A_25 = vector.load %arg5[%get3A_23, %get3A_24] : memref<256x256xbf16, #tpu.memory_space<vmem>>, vector<256x256xbf16>
    %dot_general3A = arith.constant dense<0.000000e+00> : vector<1280x256xf32>
    %dot_general3A_26 = tpu.matmul %convert_element_type3A, %get3A_25, %dot_general3A {dimension_numbers = #tpu.dot_dimension_numbers<[1], [0], [0], [1], [0, 0, 1, 1], [], []>, transpose_lhs_hint = false} : vector<1280x256xbf16>, vector<256x256xbf16>, vector<1280x256xf32> -> vector<1280x256xf32>
    %slice3A = vector.extract_strided_slice %dot_general3A_26 {offsets = [0, 0], sizes = [1280, 128], strides = [1, 1]} : vector<1280x256xf32> to vector<1280x128xf32>
    %add3A = arith.addf %slice3A, %bitcast_convert_type3A_7 : vector<1280x128xf32>
    %add3A_27 = arith.addf %add3A, %bitcast_convert_type3A_18 : vector<1280x128xf32>
    %get3A_28 = arith.constant 0 : index
    %get3A_29 = arith.constant 0 : index
    %get3A_30 = vector.load %arg8[%get3A_28, %get3A_29] : memref<1x256xf32, #tpu.memory_space<vmem>>, vector<1x128xf32>
    %add3A_31 = vector.broadcast %get3A_30 : vector<1x128xf32> to vector<1280x128xf32>
    %add3A_32 = arith.addf %add3A_27, %add3A_31 : vector<1280x128xf32>
    %slice3A_33 = vector.extract_strided_slice %dot_general3A_26 {offsets = [0, 128], sizes = [1280, 128], strides = [1, 1]} : vector<1280x256xf32> to vector<1280x128xf32>
    %add3A_34 = arith.addf %slice3A_33, %bitcast_convert_type3A_10 : vector<1280x128xf32>
    %add3A_35 = arith.addf %add3A_34, %bitcast_convert_type3A_22 : vector<1280x128xf32>
    %get3A_36 = arith.constant 0 : index
    %get3A_37 = arith.constant 128 : index
    %get3A_38 = vector.load %arg8[%get3A_36, %get3A_37] : memref<1x256xf32, #tpu.memory_space<vmem>>, vector<1x128xf32>
    %add3A_39 = vector.broadcast %get3A_38 : vector<1x128xf32> to vector<1280x128xf32>
    %add3A_40 = arith.addf %add3A_35, %add3A_39 : vector<1280x128xf32>
    %logistic3A = arith.negf %add3A_32 : vector<1280x128xf32>
    %logistic3A_41 = math.exp %logistic3A : vector<1280x128xf32>
    %logistic3A_42 = arith.constant 1.000000e+00 : f32
    %logistic3A_43 = vector.broadcast %logistic3A_42 : f32 to vector<1280x128xf32>
    %logistic3A_44 = arith.addf %logistic3A_43, %logistic3A_41 : vector<1280x128xf32>
    %logistic3A_45 = arith.divf %logistic3A_43, %logistic3A_44 : vector<1280x128xf32>
    %mul3A = arith.mulf %add3A_32, %logistic3A_45 : vector<1280x128xf32>
    %logistic3A_46 = arith.negf %add3A_40 : vector<1280x128xf32>
    %logistic3A_47 = math.exp %logistic3A_46 : vector<1280x128xf32>
    %logistic3A_48 = arith.constant 1.000000e+00 : f32
    %logistic3A_49 = vector.broadcast %logistic3A_48 : f32 to vector<1280x128xf32>
    %logistic3A_50 = arith.addf %logistic3A_49, %logistic3A_47 : vector<1280x128xf32>
    %logistic3A_51 = arith.divf %logistic3A_49, %logistic3A_50 : vector<1280x128xf32>
    %mul3A_52 = arith.mulf %add3A_40, %logistic3A_51 : vector<1280x128xf32>
    %convert_element_type3A_53 = arith.truncf %mul3A : vector<1280x128xf32> to vector<1280x128xbf16>
    %get3A_54 = arith.constant 0 : index
    %get3A_55 = arith.constant 0 : index
    %get3A_56 = vector.load %arg6[%get3A_54, %get3A_55] : memref<128x256xbf16, #tpu.memory_space<vmem>>, vector<128x256xbf16>
    %dot_general3A_57 = arith.constant dense<0.000000e+00> : vector<1280x256xf32>
    %dot_general3A_58 = tpu.matmul %convert_element_type3A_53, %get3A_56, %dot_general3A_57 {dimension_numbers = #tpu.dot_dimension_numbers<[1], [0], [0], [1], [0, 0, 1, 1], [], []>, transpose_lhs_hint = false} : vector<1280x128xbf16>, vector<128x256xbf16>, vector<1280x256xf32> -> vector<1280x256xf32>
    %convert_element_type3A_59 = arith.truncf %mul3A_52 : vector<1280x128xf32> to vector<1280x128xbf16>
    %get3A_60 = arith.constant 0 : index
    %get3A_61 = arith.constant 0 : index
    %get3A_62 = vector.load %arg7[%get3A_60, %get3A_61] : memref<128x256xbf16, #tpu.memory_space<vmem>>, vector<128x256xbf16>
    %dot_general3A_63 = arith.constant dense<0.000000e+00> : vector<1280x256xf32>
    %dot_general3A_64 = tpu.matmul %convert_element_type3A_59, %get3A_62, %dot_general3A_63 {dimension_numbers = #tpu.dot_dimension_numbers<[1], [0], [0], [1], [0, 0, 1, 1], [], []>, transpose_lhs_hint = false} : vector<1280x128xbf16>, vector<128x256xbf16>, vector<1280x256xf32> -> vector<1280x256xf32>
    %add3A_65 = arith.addf %dot_general3A_58, %dot_general3A_64 : vector<1280x256xf32>
    %get3A_66 = arith.constant 0 : index
    %get3A_67 = arith.constant 0 : index
    %get3A_68 = vector.load %arg9[%get3A_66, %get3A_67] : memref<1x256xf32, #tpu.memory_space<vmem>>, vector<1x256xf32>
    %add3A_69 = vector.broadcast %get3A_68 : vector<1x256xf32> to vector<1280x256xf32>
    %add3A_70 = arith.addf %add3A_65, %add3A_69 : vector<1280x256xf32>
    %reduce_sum3A = arith.constant dense<0.000000e+00> : vector<1280xf32>
    %reduce_sum3A_71 = vector.multi_reduction <add>, %add3A_70, %reduce_sum3A [1] : vector<1280x256xf32> to vector<1280xf32>
    %broadcast_in_dim3A = vector.shape_cast %reduce_sum3A_71 : vector<1280xf32> to vector<1280x1xf32>
    %div3A = arith.constant 2.560000e+02 : f32
    %div3A_72 = vector.broadcast %div3A : f32 to vector<1280x1xf32>
    %div3A_73 = arith.divf %broadcast_in_dim3A, %div3A_72 : vector<1280x1xf32>
    %sub3A = vector.broadcast %div3A_73 : vector<1280x1xf32> to vector<1280x256xf32>
    %sub3A_74 = arith.subf %add3A_70, %sub3A : vector<1280x256xf32>
    %mul3A_75 = arith.mulf %sub3A_74, %sub3A_74 : vector<1280x256xf32>
    %reduce_sum3A_76 = arith.constant dense<0.000000e+00> : vector<1280xf32>
    %reduce_sum3A_77 = vector.multi_reduction <add>, %mul3A_75, %reduce_sum3A_76 [1] : vector<1280x256xf32> to vector<1280xf32>
    %broadcast_in_dim3A_78 = vector.shape_cast %reduce_sum3A_77 : vector<1280xf32> to vector<1280x1xf32>
    %div3A_79 = arith.constant 2.560000e+02 : f32
    %div3A_80 = vector.broadcast %div3A_79 : f32 to vector<1280x1xf32>
    %div3A_81 = arith.divf %broadcast_in_dim3A_78, %div3A_80 : vector<1280x1xf32>
    %add3A_82 = arith.constant 9.99999974E-6 : f32
    %add3A_83 = vector.broadcast %add3A_82 : f32 to vector<1280x1xf32>
    %add3A_84 = arith.addf %div3A_81, %add3A_83 : vector<1280x1xf32>
    %rsqrt3A = math.rsqrt %add3A_84 : vector<1280x1xf32>
    %mul3A_85 = vector.broadcast %rsqrt3A : vector<1280x1xf32> to vector<1280x256xf32>
    %mul3A_86 = arith.mulf %sub3A_74, %mul3A_85 : vector<1280x256xf32>
    %get3A_87 = arith.constant 0 : index
    %get3A_88 = arith.constant 0 : index
    %get3A_89 = vector.load %arg10[%get3A_87, %get3A_88] : memref<1x256xf32, #tpu.memory_space<vmem>>, vector<1x256xf32>
    %mul3A_90 = vector.broadcast %get3A_89 : vector<1x256xf32> to vector<1280x256xf32>
    %mul3A_91 = arith.mulf %mul3A_86, %mul3A_90 : vector<1280x256xf32>
    %get3A_92 = arith.constant 0 : index
    %get3A_93 = arith.constant 0 : index
    %get3A_94 = vector.load %arg11[%get3A_92, %get3A_93] : memref<1x256xf32, #tpu.memory_space<vmem>>, vector<1x256xf32>
    %add3A_95 = vector.broadcast %get3A_94 : vector<1x256xf32> to vector<1280x256xf32>
    %add3A_96 = arith.addf %mul3A_91, %add3A_95 : vector<1280x256xf32>
    %add3A_97 = arith.addf %add3A_96, %get3A_1 : vector<1280x256xf32>
    %swap3A = arith.constant 0 : index
    %swap3A_98 = arith.constant 0 : index
    %swap3A_99 = vector.load %arg12[%swap3A, %swap3A_98] : memref<1280x256xf32, #tpu.memory_space<vmem>>, vector<1280x256xf32>
    tpu.vector_store %arg12[%swap3A, %swap3A_98], %add3A_97 {strides = array<i32>} : memref<1280x256xf32, #tpu.memory_space<vmem>>, vector<1280x256xf32>,
    return
  }
  func.func @transform_0(%arg0: i32) -> (i32, i32) {
    %c0_i32 = arith.constant 0 : i32
    %c0_i32_0 = arith.constant 0 : i32
    %c0_i32_1 = arith.constant 0 : i32
    return %c0_i32, %c0_i32_0 : i32, i32
  }
  func.func @transform_1(%arg0: i32) -> (i32, i32) {
    %add3A = arith.constant 64 : i32
    %add3A_0 = arith.addi %arg0, %add3A : i32
    %c0_i32 = arith.constant 0 : i32
    %c0_i32_1 = arith.constant 0 : i32
    return %add3A_0, %c0_i32 : i32, i32
  }
  func.func @transform_2(%arg0: i32) -> (i32, i32) {
    %c0_i32 = arith.constant 0 : i32
    %c0_i32_0 = arith.constant 0 : i32
    return %arg0, %c0_i32 : i32, i32
  }
  func.func @transform_3(%arg0: i32) -> (i32, i32) {
    %add3A = arith.constant 64 : i32
    %add3A_0 = arith.addi %arg0, %add3A : i32
    %c0_i32 = arith.constant 0 : i32
    %c0_i32_1 = arith.constant 0 : i32
    return %add3A_0, %c0_i32 : i32, i32
  }
  func.func @transform_4(%arg0: i32) -> (i32, i32) {
    %c0_i32 = arith.constant 0 : i32
    %c0_i32_0 = arith.constant 0 : i32
    %c0_i32_1 = arith.constant 0 : i32
    return %c0_i32, %c0_i32_0 : i32, i32
  }
  func.func @transform_5(%arg0: i32) -> (i32, i32) {
    %c0_i32 = arith.constant 0 : i32
    %c0_i32_0 = arith.constant 0 : i32
    %c0_i32_1 = arith.constant 0 : i32
    return %c0_i32, %c0_i32_0 : i32, i32
  }
  func.func @transform_6(%arg0: i32) -> (i32, i32) {
    %c0_i32 = arith.constant 0 : i32
    %c0_i32_0 = arith.constant 0 : i32
    %c0_i32_1 = arith.constant 0 : i32
    return %c0_i32, %c0_i32_0 : i32, i32
  }
  func.func @transform_7(%arg0: i32) -> (i32, i32) {
    %c0_i32 = arith.constant 0 : i32
    %c0_i32_0 = arith.constant 0 : i32
    %c0_i32_1 = arith.constant 0 : i32
    return %c0_i32, %c0_i32_0 : i32, i32
  }
  func.func @transform_8(%arg0: i32) -> (i32, i32) {
    %c0_i32 = arith.constant 0 : i32
    %c0_i32_0 = arith.constant 0 : i32
    %c0_i32_1 = arith.constant 0 : i32
    return %c0_i32, %c0_i32_0 : i32, i32
  }
  func.func @transform_9(%arg0: i32) -> (i32, i32) {
    %c0_i32 = arith.constant 0 : i32
    %c0_i32_0 = arith.constant 0 : i32
    %c0_i32_1 = arith.constant 0 : i32
    return %c0_i32, %c0_i32_0 : i32, i32
  }
  func.func @transform_10(%arg0: i32) -> (i32, i32) {
    %c0_i32 = arith.constant 0 : i32
    %c0_i32_0 = arith.constant 0 : i32
    %c0_i32_1 = arith.constant 0 : i32
    return %c0_i32, %c0_i32_0 : i32, i32
  }
  func.func @transform_11(%arg0: i32) -> (i32, i32) {
    %add3A = arith.constant 64 : i32
    %add3A_0 = arith.addi %arg0, %add3A : i32
    %c0_i32 = arith.constant 0 : i32
    %c0_i32_1 = arith.constant 0 : i32
    return %add3A_0, %c0_i32 : i32, i32
  }
}

</mosaic_0001>

<sc_bundles>
// kernel: kernel.12.cloned.1.call-start
scs
__scs_entry_jumppad:
0x0: {  	(pc) =	sbr.rel $0x88, $3  }
0x1: {  	(tag) =	ssettag $0x0;
	lr =	simm.s32 $0x1  }
0x2: {  	[smem:$0x3F98] =	sst lr;
	_ =	strace $0xD0000000  }
0x3: {  	_ = 	snop  }
0x4: {  	_ = 	snop  }
0x5: {  	_ = 	snop  }
0x6: {  	_ = 	snop  }
0x7: {  	_ = 	snop  }
__scs_overlays_trampoline_lowered:
0x8: {  	[smem:$0x3FA7] =	sst s0  }
0x9: {  	[smem:$0x3FA8] =	sst s1  }
0xa: {  	[smem:$0x3FA9] =	sst s2  }
0xb: {  	[smem:$0x3FAA] =	sst s3  }
0xc: {  	[smem:$0x3FAB] =	sst s4  }
0xd: {  	[smem:$0x3FAC] =	sst s5  }
0xe: {  	[smem:$0x3FAD] =	sst s6  }
0xf: {  	[smem:$0x3FAE] =	sst s7  }
0x10: {  	[smem:$0x3FAF] =	sst s8  }
0x11: {  	[smem:$0x3FB0] =	sst s9;
	s0 =	simm.s32 @!p0 $0x0  }
0x12: {  	s1 =	sld [smem:$0x3F96];
	s0 =	simm.s32 @p0 $0x1  }
0x13: {  	[smem:$0x3FB1] =	sst s0;
	s0 =	simm.s32 @!p1 $0x0  }
0x14: {  	s2 =	sld [smem:$0x3F95];
	s0 =	simm.s32 @p1 $0x1  }
0x15: {  	[smem:$0x3FB2] =	sst s0;
	s0 =	simm.s32 @!p2 $0x0  }
0x16: {  	s3 =	sld [smem:$0x3FDB];
	s0 =	simm.s32 @p2 $0x1  }
0x17: {  	s4 =	simm.s32 $0x1BF5;
	[smem:$0x3FB4] =	sst s0  }
0x18: {  	s0 =	sld [smem:$0x3F97];
	_ =	swait.ge [sflag:s4], $0x0  }
0x19: {  	s7 =	sld [smem:$0x3F98]  }
0x1a: {  	s8 =	sadd.s32 $0xFFFFE003, lr  }
0x1b: {  	s9 =	sadd.s32 $0xFFFFFEF7, lr;
	s5 =	simm.s32 $0xFFFFFFFF;
	p2 =	slt.u32 s8, $0xFFFFF086  }
0x1c: {  	p1 =	slt.u32 s9, $0xF7A;
	s5 =	simm.s32 @!p2 $0x0  }
0x1d: {  	s5 =	simm.s32 @p1 $0x1;
	p0 =	seq.s32 s7, s2  }
0x1e: {  	s7 =	smul.u32 @!p0 $0xF7A, s2;
	p2 =	seq.s32 @!p0 s5, $0x0  }
0x1f: {  	s9 =	smul.u32 $0xF7A, s1;
	s8 =	simm.s32 @!p0 $0x1BF5;
	p2 =	por !p2, p0  }
0x20: {  	[sflag:s8] =	ssyncset.s32 @!p0 $0xFFFFF086;
	s6 =	sadd.s32 @!p0 s3, s7;
	s7 =	simm.s32 @!p0 $0x108  }
0x21: {  	s3 =	sadd.s32 s3, s9;
	s6 =	sadd.s32 @!p0 $0x88, s6;
	s7 =	simm.s32 @p2 $0x1082  }
0x22: {  	[simem:s7], [sflag:s8] =	dma.local @!p0 [hbm:s6], $0xF7A  }
0x23: {  	s9 =	sor.u32 $0xD0000000, s2;
	s6 =	simm.s32 $0x108;
	_ =	swait.ge @!p0 [sflag:s8], $0x0  }
0x24: {  	s3 =	sadd.s32 $0x88, s3;
	s6 =	simm.s32 @!p1 $0x1082;
	[sflag:s4] =	ssyncset.s32 $0xFFFFF086  }
0x25: {  	[simem:s6], [sflag:s4] =	dma.local [hbm:s3], $0xF7A  }
0x26: {  	[smem:$0x3F98] =	sst s1;
	(tag) =	ssettag s2;
	_ =	strace s9  }
0x27: {  	s1 =	sld [smem:$0x3FA8]  }
0x28: {  	s2 =	sld [smem:$0x3FA9]  }
0x29: {  	s4 =	sld [smem:$0x3FAB]  }
0x2a: {  	p0 =	seq.s32 s5, $0x0;
	s5 =	sld [smem:$0x3FAC]  }
0x2b: {  	s6 =	sld [smem:$0x3FAD]  }
0x2c: {  	s7 =	sld [smem:$0x3FAE]  }
0x2d: {  	s3 =	simm.s32 $0x108;
	s8 =	sld [smem:$0x3FAF]  }
0x2e: {  	s3 =	simm.s32 @!p0 $0x1082;
	s9 =	sld [smem:$0x3FB0]  }
0x2f: {  	lr =	sadd.s32 s0, s3;
	s0 =	sld [smem:$0x3FA7]  }
0x30: {  	s3 =	sld [smem:$0x3FAA]  }
0x31: {  	[smem:$0x3FB3] =	sst s10  }
0x32: {  	s10 =	sld [smem:$0x3FB1];
	_ =	sdelay $0x3  }
0x33: {  	p0 =	seq.s32 s10, $0x1;
	s10 =	sld [smem:$0x3FB3];
	_ =	sdelay $0x3  }
0x34: {  	[smem:$0x3FB3] =	sst s10  }
0x35: {  	s10 =	sld [smem:$0x3FB2];
	_ =	sdelay $0x3  }
0x36: {  	p1 =	seq.s32 s10, $0x1;
	s10 =	sld [smem:$0x3FB3];
	_ =	sdelay $0x3  }
0x37: {  	[smem:$0x3FB3] =	sst s10  }
0x38: {  	s10 =	sld [smem:$0x3FB4]  }
0x39: {  	_ = 	snop;
	(pc) =	sbr.ind lr, $3  }
0x3a: {  	_ = 	snop  }
0x3b: {  	_ = 	snop  }
0x3c: {  	p2 =	seq.s32 s10, $0x1;
	s10 =	sld [smem:$0x3FB3]  }
0x3d: {  	_ =	shalt  }
0x3e: {  	_ =	shalt  }
0x3f: {  	_ =	shalt  }
0x40: {  	_ =	shalt  }
0x41: {  	_ =	shalt  }
0x42: {  	_ =	shalt  }
0x43: {  	_ =	shalt  }
0x44: {  	_ =	shalt  }
0x45: {  	_ =	shalt  }
0x46: {  	_ =	shalt  }
0x47: {  	_ =	shalt  }
0x48: {  	_ =	shalt  }
0x49: {  	_ =	shalt  }
0x4a: {  	_ =	shalt  }
0x4b: {  	_ =	shalt  }
0x4c: {  	_ =	shalt  }
0x4d: {  	_ =	shalt  }
0x4e: {  	_ =	shalt  }
0x4f: {  	_ =	shalt  }
0x50: {  	_ =	shalt  }
0x51: {  	_ =	shalt  }
0x52: {  	_ =	shalt  }
0x53: {  	_ =	shalt  }
0x54: {  	_ =	shalt  }
0x55: {  	_ =	shalt  }
0x56: {  	_ =	shalt  }
0x57: {  	_ =	shalt  }
0x58: {  	_ =	shalt  }
0x59: {  	_ =	shalt  }
0x5a: {  	_ =	shalt  }
0x5b: {  	_ =	shalt  }
0x5c: {  	_ =	shalt  }
0x5d: {  	_ =	shalt  }
0x5e: {  	_ =	shalt  }
0x5f: {  	_ =	shalt  }
0x60: {  	_ =	shalt  }
0x61: {  	_ =	shalt  }
0x62: {  	_ =	shalt  }
0x63: {  	_ =	shalt  }
0x64: {  	_ =	shalt  }
0x65: {  	_ =	shalt  }
0x66: {  	_ =	shalt  }
0x67: {  	_ =	shalt  }
0x68: {  	_ =	shalt  }
0x69: {  	_ =	shalt  }
0x6a: {  	_ =	shalt  }
0x6b: {  	_ =	shalt  }
0x6c: {  	_ =	shalt  }
0x6d: {  	_ =	shalt  }
0x6e: {  	_ =	shalt  }
0x6f: {  	_ =	shalt  }
0x70: {  	_ =	shalt  }
0x71: {  	_ =	shalt  }
0x72: {  	_ =	shalt  }
0x73: {  	_ =	shalt  }
0x74: {  	_ =	shalt  }
0x75: {  	_ =	shalt  }
0x76: {  	_ =	shalt  }
0x77: {  	_ =	shalt  }
0x78: {  	_ =	shalt  }
0x79: {  	_ =	shalt  }
0x7a: {  	_ =	shalt  }
0x7b: {  	_ =	shalt  }
0x7c: {  	_ =	shalt  }
0x7d: {  	_ =	shalt  }
0x7e: {  	_ =	shalt  }
0x7f: {  	_ =	shalt  }
0x80: {  	_ =	shalt  }
0x81: {  	_ =	shalt  }
0x82: {  	_ =	shalt  }
0x83: {  	_ =	shalt  }
0x84: {  	_ =	shalt  }
0x85: {  	_ =	shalt  }
0x86: {  	_ =	shalt  }
0x87: {  	_ =	shalt  }
.Lfunc_end0:
.L_simem_size_0:
called_computation.1_lowered:
.L_overlay_start_0:
0x88: {  	s2 =	sld [smem:$0x3FD9]  }
0x89: {  	s3 =	sld [smem:$0x3FFE];
	_ =	sdelay $0x1  }
0x8a: {  	s1 =	srdreg.scid  }
0x8b: {  	s0 =	sand.u32 $0x1, s1  }
0x8c: {  	s15 =	sshll.u32 s0, $0xA;
	s2 =	sadd.s32 s3, s2  }
0x8d: {  	s2 =	sadd.s32 s2, s15  }
0x8e: {  	[smem:$0x3FBF] =	sst s2  }
0x8f: {  	_ = 	snop  }
0x90: {  	s2 =	sld [smem:$0x3FD0];
	_ =	sdelay $0x2  }
0x91: {  	s16 =	simm.s32 $0xC;
	s4 =	simm.s32 $0x10  }
0x92: {  	[smem:s4], [sflag:s16] =	dma.local [hbm:s2], $0x1  }
0x93: {  	_ =	swait.eq [sflag:s16], $0x1  }
0x94: {  	[sflag:s16] =	ssyncset.done $0x0  }
0x95: {  	[sflag:s16] =	ssyncadd.s32 $0xFFFFFFFF  }
0x96: {  	s17 =	sld [smem:$0x11];
	(tm) =	ssettm $0x1  }
0x97: {  	s18 =	sld [smem:$0x3FFB];
	_ =	sdelay $0x3  }
0x98: {  	_ =	strace s18  }
0x99: {  	s2 =	sld [smem:$0x3FFC];
	_ =	sdelay $0x3  }
0x9a: {  	_ =	strace s2  }
0x9b: {  	s2 =	sld [smem:$0x3FFD];
	_ =	sdelay $0x3  }
0x9c: {  	_ =	strace s2  }
0x9d: {  	_ =	strace $0x8FFFFFFF  }
0x9e: {  	s19 =	sld [smem:$0x3FDB];
	_ =	sdelay $0x1  }
0x9f: {  	s20 =	simm.s32 $_scs_section_size  }
0xa0: {  	s5 =	simm.s32 $_size__tile_overlayer_lowered;
	s6 =	simm.s32 $_tile_overlayer_lowered  }
0xa1: {  	s7 =	simm.s32 $0x1BFF;
	s21 =	sshll.u32 s6, $0x1;
	s4 =	sadd.s32 s20, s19  }
0xa2: {  	s22 =	simm.s32 $0x0;
	s5 =	sshll.u32 s5, $0x1;
	s6 =	sadd.s32 s21, s4  }
0xa3: {  	[timem:s22], [sflag:s7] =	dma.local [hbm:s6], s5  }
0xa4: {  	_ =	swait.ge [sflag:s7], s5  }
0xa5: {  	s5 =	ssub.s32 $0x0, s5;
	[sflag:s7] =	ssyncset.done $0x0  }
0xa6: {  	[sflag:s7] =	ssyncadd.s32 s5;
	_ =	sdelay $0x1  }
0xa7: {  	s23 =	simm.s32 $0x1B8B  }
0xa8: {  	_ =	swait.ge [sflag:s23], $0x1  }
0xa9: {  	[sflag:s23] =	ssyncset.done $0x0  }
0xaa: {  	[sflag:s23] =	ssyncadd.s32 $0xFFFFFFFF  }
0xab: {  	s5 =	sld [smem:$0x0]  }
0xac: {  	s6 =	sand.u32 $0xFFFFFFFE, s1  }
0xad: {  	p0 =	sne.s32 s1, s6  }
0xae: {  	s6 =	sshll.u32 @p0 s6, $0xE  }
0xaf: {  	s6 =	sadd.s32 @p0 $0x11B8D, s6;
	s7 =	sshll.u32 @p0 s5, $0x11  }
0xb0: {  	s6 =	sor.u32 @p0 s7, s6  }
0xb1: {  	[sflag:s6] =	ssyncadd.remote.s32 @p0 $0x1;
	_ =	sdelay $0x1  }
0xb2: {  	s6 =	simm.s32 @p0 $0x1B8D  }
0xb3: {  	_ =	swait.eq @p0 [sflag:s6], $0x1  }
0xb4: {  	[sflag:s6] =	ssyncadd.s32 @p0 $0xFFFFFFFF  }
0xb5: {  	s7 =	sshll.u32 @!p0 s1, $0xE  }
0xb6: {  	s7 =	sor.u32 @!p0 $0x4000, s7;
	s6 =	simm.s32 @!p0 $0x1B8D  }
0xb7: {  	s5 =	sshll.u32 @!p0 s5, $0x11;
	s7 =	sadd.s32 @!p0 $0x11B8D, s7;
	_ =	swait.eq @!p0 [sflag:s6], $0x1  }
0xb8: {  	s5 =	sor.u32 @!p0 s5, s7;
	[sflag:s6] =	ssyncadd.s32 @!p0 $0xFFFFFFFF  }
0xb9: {  	s25 =	simm.s32 $0x1B8E;
	s24 =	sld [smem:$0x3FFE];
	[sflag:s5] =	ssyncadd.remote.s32 @!p0 $0x1  }
0xba: {  	s26 =	simm.s32 $execute0_lowered;
	[smem:$0x3FD2] =	sst s25  }
0xbb: {  	s6 =	sshll.u32 s26, $0x1;
	_ =	strace $0x80000049;
	[dreg:$0x1] =	wrdreg $0xFFFFFFFF  }
0xbc: {  	s28 =	simm.s32 $_size_execute0_lowered;
	s4 =	sadd.s32 s4, s6;
	[dreg:$0x0] =	wrdreg $0x0  }
0xbd: {  	s6 =	sshll.u32 s28, $0x1;
	[dreg:$0x2] =	wrdreg s4  }
0xbe: {  	[dreg:$0x3] =	wrdreg s6  }
0xbf: {  	[dreg:$0x4] =	wrdreg $0xC0  }
0xc0: {  	_ =	task [dreg:s22], $0x5FFFF  }
0xc1: {  	[dreg:$0x1] =	wrdreg $0xFFFFFFFF  }
0xc2: {  	[dreg:$0x0] =	wrdreg $0x60  }
0xc3: {  	[dreg:$0x2] =	wrdreg s17  }
0xc4: {  	[dreg:$0x3] =	wrdreg s24  }
0xc5: {  	[dreg:$0x4] =	wrdreg $0xF000  }
0xc6: {  	[dreg:$0x5] =	wrdreg $0xA  }
0xc7: {  	_ =	task.clear_ibuf [dreg:s22], $0x6FFFF;
	_ =	strace $0x90000049  }
0xc8: {  	s29 =	simm.s32 $0xA;
	_ =	strace $0x8000004B  }
0xc9: {  	_ =	swait.ge [sflag:s29], $0x1  }
0xca: {  	[sflag:s29] =	ssyncadd.s32 $0xFFFFFFFF  }
0xcb: {  	_ =	strace $0x9000004B  }
0xcc: {  	_ =	sfence  }
0xcd: {  	s30 =	sld [smem:$0x0];
	_ =	sdelay $0x2  }
0xce: {  	s31 =	sshll.u32 s1, $0xD;
	s1 =	sshrl.u32 s1, $0x2  }
0xcf: {  	s4 =	sand.u32 $0x4000, s31;
	s1 =	sadd.s32 s1, s30  }
0xd0: {  	s0 =	sor.u32 s4, s0;
	s1 =	sshll.u32 s1, $0x11  }
0xd1: {  	s0 =	sor.u32 s1, s0  }
0xd2: {  	s0 =	sadd.s32 $0x8F2B, s0  }
0xd3: {  	[sflag:s0] =	ssyncadd.remote.s32 $0x1  }
0xd4: {  	_ =	sfence.sel $0xFFFF  }
0xd5: {  	[dreg:$0x0] =	wrdreg $0xFFFFFFFF;
	(pc) =	sbr.abs _section_cstart, $3  }
0xd6: {  	[dreg:$0x1] =	wrdreg $0xFFFFFFFF  }
0xd7: {  	_ =	task.clear_ibuf [dreg:s22], $0x2FFFF;
	_ =	strace $0x9FFFFFFF  }
0xd8: {  	(tm) =	ssettm $0x7FFFFFFF  }
0xd9: {  	_ =	shalt  }
tec
execute0_lowered:
.L_overlay_start_1:
0x0: {  	(tag) =	ssettag $0x1  }
0x1: {  	s4 =	rddreg [dreg:$0x0]  }
0x2: {  	s0 =	srdreg.scid;
	s3 =	rddreg [dreg:$0x1]  }
0x3: {  	s1 =	rddreg [dreg:$0x2];
	s25 =	stileid.u32  }
0x4: {  	s2 =	simm.s32 $0x0;
	s16 =	simm.s32 $0x80;
	s17 =	simm.s32 $0x14780  }
0x5: {  	s18 =	simm.s32 $0x18780;
	s19 =	simm.s32 $0x1;
	s20 =	simm.s32 $0x3  }
0x6: {  	s21 =	simm.s32 $0x100;
	s22 =	simm.s32 $0x2;
	s23 =	simm.s32 $0x4  }
0x7: {  	s8 =	sand.u32 $0x1, s0;
	s0 =	rddreg [dreg:$0x3];
	s30 =	smul.u32 $0x1E, s25  }
0x8: {  	s24 =	simm.s32 $0xE80;
	[smem:$0x7FF] =	sst s2;
	s31 =	smul.u32 $0xF000, s25  }
0x9: {  	s11 =	sadd.s32 $0x7000, s3;
	s13 =	sadd.s32 $0x9C400, s1;
	s7 =	smul.u32 $0x138800, s8  }
0xa: {  	p0 =	seq.s32 s25, $0x1;
	p1 =	sne.s32 s25, $0x0;
	s10 =	smul.u32 $0x27100, s8  }
0xb: {  	s5 =	sshll.u32 s8, $0x4;
	_ =	strace $0x8000004A;
	s12 =	smul.u32 $0x1E0, s8  }
0xc: {  	s26 =	ssub.s32 $0x2, s8;
	s14 =	smul.u32 $0xF0000, s8;
	s13 =	sshrl.u32 s13, $0x3  }
0xd: {  	s5 =	sor.u32 s25, s5;
	s9 =	sshrl.u32 s26, $0x1;
	s25 =	simm.s32 $0x1C05  }
0xe: {  	s6 =	smul.u32 $0x1E0, s5;
	s7 =	sshrl.u32 s7, $0x3;
	s9 =	ssub.s32 s26, s9  }
0xf: {  	s29 =	smul.u32 $0xF000, s5;
	s14 =	sadd.s32 s14, s11;
	s26 =	simm.s32 $0x0  }
0x10: {  	s28 =	sadd.s32 s4, s7;
	s4 =	sadd.s32 s4, s10;
	s10 =	sadd.s32 s30, s12  }
0x11: {  	s12 =	sadd.s32 s31, s14;
	s14 =	simm.s32 $0x1C45;
	s6 =	sadd.s32 s6, s3  }
0x12: {  	s3 =	sadd.s32 $0x13880, s28;
	s7 =	sadd.s32 s11, s29;
	s15 =	sshll.u32 s10, $0xB  }
0x13: {  	s12 =	sadd.s32 $0x1000, s12;
	s5 =	sadd.s32 $0x3400, s6;
	s6 =	smax.u32 s9, $0x1  }
0x14: {  	s8 =	sadd.s32 $0x800, s7;
	s9 =	sadd.s32 $0xE000, s7;
	s11 =	sadd.s32 s11, s15  }
0x15: {  	s10 =	sadd.s32 $0xE800, s7;
	s15 =	simm.s32 $0x5;
	s11 =	sadd.s32 $0x1800, s11  }
.LBB2_1:
.Ltmp0:
0x16: {  	(pc) =	sbr.rel @p0 .LBB2_4-.Ltmp0, $1  }
0x17: {  	_ =	sdelay $0x3  }
.Ltmp1:
0x18: {  	(pc) =	sbr.rel @p1 .LBB2_6-.Ltmp1, $1  }
0x19: {  	_ =	sdelay $0x3  }
.Ltmp2:
0x1a: {  	(pc) =	sbr.rel .LBB2_5-.Ltmp2, $3  }
0x1b: {  	_ =	sdelay $0x1  }
0x1c: {  	s28 =	sshrl.u32 s1, $0x3  }
0x1d: {  	[spmem:s28], [sflag:s25] =	dma.local [hbm:s4], $0x13880  }
.LBB2_4:
0x1e: {  	[spmem:s13], [sflag:s14] =	dma.local [hbm:s3], $0x13880  }
.LBB2_5:
0x1f: {  	_ =	swait.ge [sflag:s15], $0x13880  }
0x20: {  	[sflag:s15] =	ssyncset.done $0x0  }
0x21: {  	[sflag:s15] =	ssyncadd.s32 $0xFFFEC780  }
.LBB2_6:
0x22: {  	s28 =	simm.s32 $0x0  }
0x23: {  	[tilespmem:s28], [sflag:$0x5] =	stream.linear.gather [hbm4b:s5+s28], $0xF00, $0x38;
	[tilespmem:$0x1C780] =	vst v63  }
0x24: {  	_ =	swait.ge [sflag:s15], $0xF00  }
0x25: {  	[sflag:s15] =	ssyncset.done $0x0  }
0x26: {  	[sflag:s15] =	ssyncadd.s32 $0xFFFFF100  }
0x27: {  	[bflag:$0x0] =	sbarrier.arrive $0xFFFF  }
0x28: {  	[tilespmem:s17], [sflag:$0x1] =	stream.indirect.gather [spmem:s1], $0x80, s28, s16, $0xb8;
	[tilespmem:$0x1C780] =	vst v63  }
0x29: {  	_ = 	snop  }
0x2a: {  	[tilespmem:s18], [sflag:$0x2] =	stream.indirect.gather [spmem:s1], $0x80, s16, s16, $0xb8;
	[tilespmem:$0x1C780] =	vst v63  }
0x2b: {  	_ =	swait.ge [sflag:s19], $0x4000  }
0x2c: {  	[sflag:s19] =	ssyncset.done $0x0  }
0x2d: {  	[sflag:s19] =	ssyncadd.s32 $0xFFFFC000  }
0x2e: {  	[hbm4b:s7+s28] =	stream.linear.scatter [tilespmem:s17], [sflag:$0x3], $0x4000, $0x38;
	[tilespmem:$0x1C780] =	vst v63  }
0x2f: {  	_ =	swait.ge [sflag:s20], $0x4000  }
0x30: {  	[sflag:s20] =	ssyncset.done $0x0  }
0x31: {  	[sflag:s20] =	ssyncadd.s32 $0xFFFFC000  }
0x32: {  	[tilespmem:s17], [sflag:$0x1] =	stream.indirect.gather [spmem:s1], $0x80, s21, s16, $0xb8;
	[tilespmem:$0x1C780] =	vst v63  }
0x33: {  	_ =	swait.ge [sflag:s22], $0x4000  }
0x34: {  	[sflag:s22] =	ssyncset.done $0x0  }
0x35: {  	[sflag:s22] =	ssyncadd.s32 $0xFFFFC000  }
0x36: {  	[hbm4b:s8+s28] =	stream.linear.scatter [tilespmem:s18], [sflag:$0x4], $0x4000, $0x38;
	[tilespmem:$0x1C780] =	vst v63  }
0x37: {  	_ =	swait.ge [sflag:s23], $0x4000  }
0x38: {  	[sflag:s23] =	ssyncset.done $0x0  }
0x39: {  	s28 =	simm.s32 $0x180;
	[sflag:s23] =	ssyncadd.s32 $0xFFFFC000  }
0x3a: {  	[tilespmem:s18], [sflag:$0x2] =	stream.indirect.gather [spmem:s1], $0x80, s28, s16, $0xb8;
	[tilespmem:$0x1C780] =	vst v63  }
0x3b: {  	_ =	swait.ge [sflag:s19], $0x4000  }
0x3c: {  	[sflag:s19] =	ssyncset.done $0x0  }
0x3d: {  	s28 =	sadd.s32 $0x0, s12;
	[sflag:s19] =	ssyncadd.s32 $0xFFFFC000  }
0x3e: {  	[hbm4b:s28+s2] =	stream.linear.scatter [tilespmem:s17], [sflag:$0x3], $0x4000, $0x38;
	[tilespmem:$0x1C780] =	vst v63  }
0x3f: {  	_ =	swait.ge [sflag:s20], $0x4000  }
0x40: {  	[sflag:s20] =	ssyncset.done $0x0  }
0x41: {  	s28 =	simm.s32 $0x200;
	[sflag:s20] =	ssyncadd.s32 $0xFFFFC000  }
0x42: {  	[tilespmem:s17], [sflag:$0x1] =	stream.indirect.gather [spmem:s1], $0x80, s28, s16, $0xb8;
	[tilespmem:$0x1C780] =	vst v63  }
0x43: {  	_ =	swait.ge [sflag:s22], $0x4000  }
0x44: {  	s30 =	sadd.s32 $0x0, s11;
	[sflag:s22] =	ssyncset.done $0x0  }
0x45: {  	s29 =	simm.s32 $0x300;
	s28 =	simm.s32 $0x1000;
	[sflag:s22] =	ssyncadd.s32 $0xFFFFC000  }
.LBB2_7:
0x46: {  	[hbm4b:s30+s2] =	stream.linear.scatter [tilespmem:s18], [sflag:$0x4], $0x4000, $0x38;
	[tilespmem:$0x1C780] =	vst v63  }
0x47: {  	s30 =	smov.u32 s28  }
0x48: {  	p2 =	sne.s32 s28, $0xC000;
	s28 =	sadd.s32 $0x1000, s28;
	_ =	swait.ge [sflag:s23], $0x4000  }
0x49: {  	[sflag:s23] =	ssyncset.done $0x0  }
0x4a: {  	s31 =	sadd.s32 $0xFFFFFF80, s29;
	[sflag:s23] =	ssyncadd.s32 $0xFFFFC000  }
0x4b: {  	[tilespmem:s18], [sflag:$0x2] =	stream.indirect.gather [spmem:s1], $0x80, s31, s16, $0xb8;
	[tilespmem:$0x1C780] =	vst v63  }
0x4c: {  	_ =	swait.ge [sflag:s19], $0x4000  }
0x4d: {  	[sflag:s19] =	ssyncset.done $0x0  }
0x4e: {  	s31 =	sadd.s32 s30, s12;
	[sflag:s19] =	ssyncadd.s32 $0xFFFFC000  }
0x4f: {  	[hbm4b:s31+s2] =	stream.linear.scatter [tilespmem:s17], [sflag:$0x3], $0x4000, $0x38;
	[tilespmem:$0x1C780] =	vst v63  }
0x50: {  	_ =	swait.ge [sflag:s20], $0x4000  }
0x51: {  	[sflag:s20] =	ssyncset.done $0x0  }
.Ltmp3:
0x52: {  	[sflag:s20] =	ssyncadd.s32 $0xFFFFC000;
	(pc) =	sbr.rel @p2 .LBB2_7-.Ltmp3, $4  }
0x53: {  	[tilespmem:s17], [sflag:$0x1] =	stream.indirect.gather [spmem:s1], $0x80, s29, s16, $0xb8;
	[tilespmem:$0x1C780] =	vst v63  }
0x54: {  	_ =	swait.ge [sflag:s22], $0x4000  }
0x55: {  	[sflag:s22] =	ssyncset.done $0x0  }
0x56: {  	s30 =	sadd.s32 s30, s11;
	s29 =	sadd.s32 $0x100, s29;
	[sflag:s22] =	ssyncadd.s32 $0xFFFFC000  }
0x57: {  	[hbm4b:s30+s2] =	stream.linear.scatter [tilespmem:s18], [sflag:$0x4], $0x4000, $0x38;
	[tilespmem:$0x1C780] =	vst v63  }
0x58: {  	_ =	swait.ge [sflag:s23], $0x4000  }
0x59: {  	[sflag:s23] =	ssyncset.done $0x0  }
0x5a: {  	[sflag:s23] =	ssyncadd.s32 $0xFFFFC000  }
0x5b: {  	[tilespmem:s18], [sflag:$0x2] =	stream.indirect.gather [spmem:s1], $0x80, s24, s16, $0xb8;
	[tilespmem:$0x1C780] =	vst v63  }
0x5c: {  	_ =	swait.ge [sflag:s19], $0x4000  }
0x5d: {  	[sflag:s19] =	ssyncset.done $0x0  }
0x5e: {  	[sflag:s19] =	ssyncadd.s32 $0xFFFFC000  }
0x5f: {  	[hbm4b:s9+s2] =	stream.linear.scatter [tilespmem:s17], [sflag:$0x3], $0x4000, $0x38;
	[tilespmem:$0x1C780] =	vst v63  }
0x60: {  	_ =	swait.ge [sflag:s20], $0x4000  }
0x61: {  	[sflag:s20] =	ssyncset.done $0x0  }
0x62: {  	[sflag:s20] =	ssyncadd.s32 $0xFFFFC000  }
0x63: {  	s26 =	sadd.s32 $0x1, s26;
	_ =	swait.ge [sflag:s22], $0x4000  }
0x64: {  	p2 =	sne.s32 s26, s6;
	[sflag:s22] =	ssyncset.done $0x0  }
.Ltmp4:
0x65: {  	[sflag:s22] =	ssyncadd.s32 $0xFFFFC000;
	(pc) =	sbr.rel @p2 .LBB2_1-.Ltmp4, $4  }
0x66: {  	[hbm4b:s10+s2] =	stream.linear.scatter [tilespmem:s18], [sflag:$0x4], $0x4000, $0x38;
	[tilespmem:$0x1C780] =	vst v63  }
0x67: {  	_ =	swait.ge [sflag:s23], $0x4000  }
0x68: {  	[sflag:s23] =	ssyncset.done $0x0  }
0x69: {  	[sflag:s23] =	ssyncadd.s32 $0xFFFFC000  }
0x6a: {  	_ =	sfence.sel $0x180000  }
0x6b: {  	[bflag:$0x0] =	sbarrier.arrive $0xFFFF  }
0x6c: {  	_ =	strace $0x9000004A  }
0x6d: {  	s0 =	sadd.s32 @!p1 $0x100000, s0;
	[bflag:$0x2] =	sbarrier.arrive $0xFFFF  }
0x6e: {  	[sflag:s0] =	ssyncadd.tile.s32 @!p1 $0x1;
	_ =	shalt  }
.Lfunc_end2:
_tile_overlayer_lowered:
.L_overlay_start_2:
0x6f: {  	(tag) =	ssettag $0x2  }
0x70: {  	s0 =	rddreg [dreg:$0x0];
	s2 =	stileid.u32  }
0x71: {  	s1 =	rddreg [dreg:$0x1];
	p0 =	sne.s32 s2, $0x0  }
0x72: {  	s3 =	rddreg [dreg:$0x2];
	[bflag:$0x3] =	sbarrier.arrive $0xFFFF;
	s2 =	simm.s32 @!p0 $0x1C05  }
0x73: {  	[timem:s3], [sflag:s2] =	dma.local @!p0 [hbm:s0], s1  }
0x74: {  	s0 =	simm.s32 @!p0 $0x5  }
0x75: {  	_ =	swait.ge @!p0 [sflag:s0], s1  }
0x76: {  	s1 =	ssub.s32 @!p0 $0x0, s1;
	[sflag:s0] =	ssyncset.done @!p0 $0x0  }
0x77: {  	[sflag:s0] =	ssyncadd.s32 @!p0 s1  }
0x78: {  	[bflag:$0x3] =	sbarrier.arrive $0xFFFF  }
0x79: {  	_ =	shalt  }

// kernel: kernel.15.cloned.1.call-start
scs
__scs_entry_jumppad:
0x0: {  	(pc) =	sbr.rel $0x88, $3  }
0x1: {  	(tag) =	ssettag $0x0;
	lr =	simm.s32 $0x1  }
0x2: {  	[smem:$0x3F98] =	sst lr;
	_ =	strace $0xD0000000  }
0x3: {  	_ = 	snop  }
0x4: {  	_ = 	snop  }
0x5: {  	_ = 	snop  }
0x6: {  	_ = 	snop  }
0x7: {  	_ = 	snop  }
__scs_overlays_trampoline_lowered:
0x8: {  	[smem:$0x3FA7] =	sst s0  }
0x9: {  	[smem:$0x3FA8] =	sst s1  }
0xa: {  	[smem:$0x3FA9] =	sst s2  }
0xb: {  	[smem:$0x3FAA] =	sst s3  }
0xc: {  	[smem:$0x3FAB] =	sst s4  }
0xd: {  	[smem:$0x3FAC] =	sst s5  }
0xe: {  	[smem:$0x3FAD] =	sst s6  }
0xf: {  	[smem:$0x3FAE] =	sst s7  }
0x10: {  	[smem:$0x3FAF] =	sst s8  }
0x11: {  	[smem:$0x3FB0] =	sst s9;
	s0 =	simm.s32 @!p0 $0x0  }
0x12: {  	s1 =	sld [smem:$0x3F96];
	s0 =	simm.s32 @p0 $0x1  }
0x13: {  	[smem:$0x3FB1] =	sst s0;
	s0 =	simm.s32 @!p1 $0x0  }
0x14: {  	s2 =	sld [smem:$0x3F95];
	s0 =	simm.s32 @p1 $0x1  }
0x15: {  	[smem:$0x3FB2] =	sst s0;
	s0 =	simm.s32 @!p2 $0x0  }
0x16: {  	s3 =	sld [smem:$0x3FDB];
	s0 =	simm.s32 @p2 $0x1  }
0x17: {  	s4 =	simm.s32 $0x1BF5;
	[smem:$0x3FB4] =	sst s0  }
0x18: {  	s0 =	sld [smem:$0x3F97];
	_ =	swait.ge [sflag:s4], $0x0  }
0x19: {  	s7 =	sld [smem:$0x3F98]  }
0x1a: {  	s8 =	sadd.s32 $0xFFFFE003, lr  }
0x1b: {  	s9 =	sadd.s32 $0xFFFFFEF7, lr;
	s5 =	simm.s32 $0xFFFFFFFF;
	p2 =	slt.u32 s8, $0xFFFFF086  }
0x1c: {  	p1 =	slt.u32 s9, $0xF7A;
	s5 =	simm.s32 @!p2 $0x0  }
0x1d: {  	s5 =	simm.s32 @p1 $0x1;
	p0 =	seq.s32 s7, s2  }
0x1e: {  	s7 =	smul.u32 @!p0 $0xF7A, s2;
	p2 =	seq.s32 @!p0 s5, $0x0  }
0x1f: {  	s9 =	smul.u32 $0xF7A, s1;
	s8 =	simm.s32 @!p0 $0x1BF5;
	p2 =	por !p2, p0  }
0x20: {  	[sflag:s8] =	ssyncset.s32 @!p0 $0xFFFFF086;
	s6 =	sadd.s32 @!p0 s3, s7;
	s7 =	simm.s32 @!p0 $0x108  }
0x21: {  	s3 =	sadd.s32 s3, s9;
	s6 =	sadd.s32 @!p0 $0x88, s6;
	s7 =	simm.s32 @p2 $0x1082  }
0x22: {  	[simem:s7], [sflag:s8] =	dma.local @!p0 [hbm:s6], $0xF7A  }
0x23: {  	s9 =	sor.u32 $0xD0000000, s2;
	s6 =	simm.s32 $0x108;
	_ =	swait.ge @!p0 [sflag:s8], $0x0  }
0x24: {  	s3 =	sadd.s32 $0x88, s3;
	s6 =	simm.s32 @!p1 $0x1082;
	[sflag:s4] =	ssyncset.s32 $0xFFFFF086  }
0x25: {  	[simem:s6], [sflag:s4] =	dma.local [hbm:s3], $0xF7A  }
0x26: {  	[smem:$0x3F98] =	sst s1;
	(tag) =	ssettag s2;
	_ =	strace s9  }
0x27: {  	s1 =	sld [smem:$0x3FA8]  }
0x28: {  	s2 =	sld [smem:$0x3FA9]  }
0x29: {  	s4 =	sld [smem:$0x3FAB]  }
0x2a: {  	p0 =	seq.s32 s5, $0x0;
	s5 =	sld [smem:$0x3FAC]  }
0x2b: {  	s6 =	sld [smem:$0x3FAD]  }
0x2c: {  	s7 =	sld [smem:$0x3FAE]  }
0x2d: {  	s3 =	simm.s32 $0x108;
	s8 =	sld [smem:$0x3FAF]  }
0x2e: {  	s3 =	simm.s32 @!p0 $0x1082;
	s9 =	sld [smem:$0x3FB0]  }
0x2f: {  	lr =	sadd.s32 s0, s3;
	s0 =	sld [smem:$0x3FA7]  }
0x30: {  	s3 =	sld [smem:$0x3FAA]  }
0x31: {  	[smem:$0x3FB3] =	sst s10  }
0x32: {  	s10 =	sld [smem:$0x3FB1];
	_ =	sdelay $0x3  }
0x33: {  	p0 =	seq.s32 s10, $0x1;
	s10 =	sld [smem:$0x3FB3];
	_ =	sdelay $0x3  }
0x34: {  	[smem:$0x3FB3] =	sst s10  }
0x35: {  	s10 =	sld [smem:$0x3FB2];
	_ =	sdelay $0x3  }
0x36: {  	p1 =	seq.s32 s10, $0x1;
	s10 =	sld [smem:$0x3FB3];
	_ =	sdelay $0x3  }
0x37: {  	[smem:$0x3FB3] =	sst s10  }
0x38: {  	s10 =	sld [smem:$0x3FB4]  }
0x39: {  	_ = 	snop;
	(pc) =	sbr.ind lr, $3  }
0x3a: {  	_ = 	snop  }
0x3b: {  	_ = 	snop  }
0x3c: {  	p2 =	seq.s32 s10, $0x1;
	s10 =	sld [smem:$0x3FB3]  }
0x3d: {  	_ =	shalt  }
0x3e: {  	_ =	shalt  }
0x3f: {  	_ =	shalt  }
0x40: {  	_ =	shalt  }
0x41: {  	_ =	shalt  }
0x42: {  	_ =	shalt  }
0x43: {  	_ =	shalt  }
0x44: {  	_ =	shalt  }
0x45: {  	_ =	shalt  }
0x46: {  	_ =	shalt  }
0x47: {  	_ =	shalt  }
0x48: {  	_ =	shalt  }
0x49: {  	_ =	shalt  }
0x4a: {  	_ =	shalt  }
0x4b: {  	_ =	shalt  }
0x4c: {  	_ =	shalt  }
0x4d: {  	_ =	shalt  }
0x4e: {  	_ =	shalt  }
0x4f: {  	_ =	shalt  }
0x50: {  	_ =	shalt  }
0x51: {  	_ =	shalt  }
0x52: {  	_ =	shalt  }
0x53: {  	_ =	shalt  }
0x54: {  	_ =	shalt  }
0x55: {  	_ =	shalt  }
0x56: {  	_ =	shalt  }
0x57: {  	_ =	shalt  }
0x58: {  	_ =	shalt  }
0x59: {  	_ =	shalt  }
0x5a: {  	_ =	shalt  }
0x5b: {  	_ =	shalt  }
0x5c: {  	_ =	shalt  }
0x5d: {  	_ =	shalt  }
0x5e: {  	_ =	shalt  }
0x5f: {  	_ =	shalt  }
0x60: {  	_ =	shalt  }
0x61: {  	_ =	shalt  }
0x62: {  	_ =	shalt  }
0x63: {  	_ =	shalt  }
0x64: {  	_ =	shalt  }
0x65: {  	_ =	shalt  }
0x66: {  	_ =	shalt  }
0x67: {  	_ =	shalt  }
0x68: {  	_ =	shalt  }
0x69: {  	_ =	shalt  }
0x6a: {  	_ =	shalt  }
0x6b: {  	_ =	shalt  }
0x6c: {  	_ =	shalt  }
0x6d: {  	_ =	shalt  }
0x6e: {  	_ =	shalt  }
0x6f: {  	_ =	shalt  }
0x70: {  	_ =	shalt  }
0x71: {  	_ =	shalt  }
0x72: {  	_ =	shalt  }
0x73: {  	_ =	shalt  }
0x74: {  	_ =	shalt  }
0x75: {  	_ =	shalt  }
0x76: {  	_ =	shalt  }
0x77: {  	_ =	shalt  }
0x78: {  	_ =	shalt  }
0x79: {  	_ =	shalt  }
0x7a: {  	_ =	shalt  }
0x7b: {  	_ =	shalt  }
0x7c: {  	_ =	shalt  }
0x7d: {  	_ =	shalt  }
0x7e: {  	_ =	shalt  }
0x7f: {  	_ =	shalt  }
0x80: {  	_ =	shalt  }
0x81: {  	_ =	shalt  }
0x82: {  	_ =	shalt  }
0x83: {  	_ =	shalt  }
0x84: {  	_ =	shalt  }
0x85: {  	_ =	shalt  }
0x86: {  	_ =	shalt  }
0x87: {  	_ =	shalt  }
.Lfunc_end0:
.L_simem_size_0:
called_computation.2_lowered:
.L_overlay_start_0:
0x88: {  	s2 =	sld [smem:$0x3FD9]  }
0x89: {  	s3 =	sld [smem:$0x3FFE];
	_ =	sdelay $0x1  }
0x8a: {  	s1 =	srdreg.scid  }
0x8b: {  	s0 =	sand.u32 $0x1, s1  }
0x8c: {  	s15 =	sshll.u32 s0, $0xA;
	s2 =	sadd.s32 s3, s2  }
0x8d: {  	s2 =	sadd.s32 s2, s15  }
0x8e: {  	[smem:$0x3FBF] =	sst s2  }
0x8f: {  	_ = 	snop  }
0x90: {  	s2 =	sld [smem:$0x3FD0];
	_ =	sdelay $0x2  }
0x91: {  	s16 =	simm.s32 $0xC;
	s4 =	simm.s32 $0x10  }
0x92: {  	[smem:s4], [sflag:s16] =	dma.local [hbm:s2], $0x1  }
0x93: {  	_ =	swait.eq [sflag:s16], $0x1  }
0x94: {  	[sflag:s16] =	ssyncset.done $0x0  }
0x95: {  	[sflag:s16] =	ssyncadd.s32 $0xFFFFFFFF  }
0x96: {  	s17 =	sld [smem:$0x11];
	(tm) =	ssettm $0x1  }
0x97: {  	s18 =	sld [smem:$0x3FFB];
	_ =	sdelay $0x3  }
0x98: {  	_ =	strace s18  }
0x99: {  	s2 =	sld [smem:$0x3FFC];
	_ =	sdelay $0x3  }
0x9a: {  	_ =	strace s2  }
0x9b: {  	s2 =	sld [smem:$0x3FFD];
	_ =	sdelay $0x3  }
0x9c: {  	_ =	strace s2  }
0x9d: {  	_ =	strace $0x8FFFFFFF  }
0x9e: {  	s19 =	sld [smem:$0x3FDB];
	_ =	sdelay $0x1  }
0x9f: {  	s20 =	simm.s32 $_scs_section_size  }
0xa0: {  	s5 =	simm.s32 $_size__tile_overlayer_lowered;
	s6 =	simm.s32 $_tile_overlayer_lowered  }
0xa1: {  	s7 =	simm.s32 $0x1BFF;
	s21 =	sshll.u32 s6, $0x1;
	s4 =	sadd.s32 s20, s19  }
0xa2: {  	s22 =	simm.s32 $0x0;
	s5 =	sshll.u32 s5, $0x1;
	s6 =	sadd.s32 s21, s4  }
0xa3: {  	[timem:s22], [sflag:s7] =	dma.local [hbm:s6], s5  }
0xa4: {  	_ =	swait.ge [sflag:s7], s5  }
0xa5: {  	s5 =	ssub.s32 $0x0, s5;
	[sflag:s7] =	ssyncset.done $0x0  }
0xa6: {  	[sflag:s7] =	ssyncadd.s32 s5;
	_ =	sdelay $0x1  }
0xa7: {  	s23 =	simm.s32 $0x1B8B  }
0xa8: {  	_ =	swait.ge [sflag:s23], $0x1  }
0xa9: {  	[sflag:s23] =	ssyncset.done $0x0  }
0xaa: {  	[sflag:s23] =	ssyncadd.s32 $0xFFFFFFFF  }
0xab: {  	s5 =	sld [smem:$0x0]  }
0xac: {  	s6 =	sand.u32 $0xFFFFFFFE, s1  }
0xad: {  	p0 =	sne.s32 s1, s6  }
0xae: {  	s6 =	sshll.u32 @p0 s6, $0xE  }
0xaf: {  	s6 =	sadd.s32 @p0 $0x11B8D, s6;
	s7 =	sshll.u32 @p0 s5, $0x11  }
0xb0: {  	s6 =	sor.u32 @p0 s7, s6  }
0xb1: {  	[sflag:s6] =	ssyncadd.remote.s32 @p0 $0x1;
	_ =	sdelay $0x1  }
0xb2: {  	s6 =	simm.s32 @p0 $0x1B8D  }
0xb3: {  	_ =	swait.eq @p0 [sflag:s6], $0x1  }
0xb4: {  	[sflag:s6] =	ssyncadd.s32 @p0 $0xFFFFFFFF  }
0xb5: {  	s7 =	sshll.u32 @!p0 s1, $0xE  }
0xb6: {  	s7 =	sor.u32 @!p0 $0x4000, s7;
	s6 =	simm.s32 @!p0 $0x1B8D  }
0xb7: {  	s5 =	sshll.u32 @!p0 s5, $0x11;
	s7 =	sadd.s32 @!p0 $0x11B8D, s7;
	_ =	swait.eq @!p0 [sflag:s6], $0x1  }
0xb8: {  	s5 =	sor.u32 @!p0 s5, s7;
	[sflag:s6] =	ssyncadd.s32 @!p0 $0xFFFFFFFF  }
0xb9: {  	s25 =	simm.s32 $0x1B8E;
	s24 =	sld [smem:$0x3FFE];
	[sflag:s5] =	ssyncadd.remote.s32 @!p0 $0x1  }
0xba: {  	s26 =	simm.s32 $execute0_lowered;
	[smem:$0x3FD2] =	sst s25  }
0xbb: {  	s6 =	sshll.u32 s26, $0x1;
	_ =	strace $0x8000004C;
	[dreg:$0x1] =	wrdreg $0xFFFFFFFF  }
0xbc: {  	s28 =	simm.s32 $_size_execute0_lowered;
	s4 =	sadd.s32 s4, s6;
	[dreg:$0x0] =	wrdreg $0x0  }
0xbd: {  	s6 =	sshll.u32 s28, $0x1;
	[dreg:$0x2] =	wrdreg s4  }
0xbe: {  	[dreg:$0x3] =	wrdreg s6  }
0xbf: {  	[dreg:$0x4] =	wrdreg $0xC0  }
0xc0: {  	_ =	task [dreg:s22], $0x5FFFF  }
0xc1: {  	[dreg:$0x1] =	wrdreg $0xFFFFFFFF  }
0xc2: {  	[dreg:$0x0] =	wrdreg $0x60  }
0xc3: {  	[dreg:$0x2] =	wrdreg s17  }
0xc4: {  	[dreg:$0x3] =	wrdreg s24  }
0xc5: {  	[dreg:$0x4] =	wrdreg $0x14000  }
0xc6: {  	[dreg:$0x5] =	wrdreg $0xB  }
0xc7: {  	_ =	task.clear_ibuf [dreg:s22], $0x6FFFF;
	_ =	strace $0x9000004C  }
0xc8: {  	s29 =	simm.s32 $0xB;
	_ =	strace $0x8000004E  }
0xc9: {  	_ =	swait.ge [sflag:s29], $0x1  }
0xca: {  	[sflag:s29] =	ssyncadd.s32 $0xFFFFFFFF  }
0xcb: {  	_ =	strace $0x9000004E  }
0xcc: {  	_ =	sfence  }
0xcd: {  	s30 =	sld [smem:$0x0];
	_ =	sdelay $0x2  }
0xce: {  	s31 =	sshll.u32 s1, $0xD;
	s1 =	sshrl.u32 s1, $0x2  }
0xcf: {  	s4 =	sand.u32 $0x4000, s31;
	s1 =	sadd.s32 s1, s30  }
0xd0: {  	s0 =	sor.u32 s4, s0;
	s1 =	sshll.u32 s1, $0x11  }
0xd1: {  	s0 =	sor.u32 s1, s0  }
0xd2: {  	s0 =	sadd.s32 $0x8F2B, s0  }
0xd3: {  	[sflag:s0] =	ssyncadd.remote.s32 $0x1  }
0xd4: {  	_ =	sfence.sel $0xFFFF  }
0xd5: {  	[dreg:$0x0] =	wrdreg $0xFFFFFFFF;
	(pc) =	sbr.abs _section_cstart, $3  }
0xd6: {  	[dreg:$0x1] =	wrdreg $0xFFFFFFFF  }
0xd7: {  	_ =	task.clear_ibuf [dreg:s22], $0x2FFFF;
	_ =	strace $0x9FFFFFFF  }
0xd8: {  	(tm) =	ssettm $0x7FFFFFFF  }
0xd9: {  	_ =	shalt  }
tec
execute0_lowered:
.L_overlay_start_1:
0x0: {  	(tag) =	ssettag $0x1  }
0x1: {  	s4 =	rddreg [dreg:$0x0]  }
0x2: {  	s0 =	srdreg.scid;
	s3 =	rddreg [dreg:$0x1]  }
0x3: {  	s1 =	rddreg [dreg:$0x2];
	s25 =	stileid.u32  }
0x4: {  	s2 =	simm.s32 $0x0;
	s16 =	simm.s32 $0x80;
	s17 =	simm.s32 $0x14C80  }
0x5: {  	s18 =	simm.s32 $0x18C80;
	s19 =	simm.s32 $0x1;
	s20 =	simm.s32 $0x3  }
0x6: {  	s21 =	simm.s32 $0x100;
	s22 =	simm.s32 $0x2;
	s23 =	simm.s32 $0x4  }
0x7: {  	s8 =	sand.u32 $0x1, s0;
	s0 =	rddreg [dreg:$0x3];
	s30 =	smul.u32 $0x28, s25  }
0x8: {  	s24 =	simm.s32 $0x1380;
	[smem:$0x7FF] =	sst s2;
	s31 =	smul.u32 $0x14000, s25  }
0x9: {  	s11 =	sadd.s32 $0x1EC000, s3;
	s13 =	sadd.s32 $0x9C400, s1;
	s7 =	smul.u32 $0x138800, s8  }
0xa: {  	p0 =	seq.s32 s25, $0x1;
	p1 =	sne.s32 s25, $0x0;
	s10 =	smul.u32 $0x27100, s8  }
0xb: {  	s5 =	sshll.u32 s8, $0x4;
	_ =	strace $0x8000004D;
	s12 =	smul.u32 $0x280, s8  }
0xc: {  	s26 =	ssub.s32 $0x2, s8;
	s14 =	smul.u32 $0x140000, s8;
	s13 =	sshrl.u32 s13, $0x3  }
0xd: {  	s5 =	sor.u32 s25, s5;
	s9 =	sshrl.u32 s26, $0x1;
	s25 =	simm.s32 $0x1C05  }
0xe: {  	s6 =	smul.u32 $0x280, s5;
	s7 =	sshrl.u32 s7, $0x3;
	s9 =	ssub.s32 s26, s9  }
0xf: {  	s29 =	smul.u32 $0x14000, s5;
	s14 =	sadd.s32 s14, s11;
	s26 =	simm.s32 $0x0  }
0x10: {  	s28 =	sadd.s32 s4, s7;
	s4 =	sadd.s32 s4, s10;
	s10 =	sadd.s32 s30, s12  }
0x11: {  	s12 =	sadd.s32 s31, s14;
	s14 =	simm.s32 $0x1C45;
	s6 =	sadd.s32 s6, s3  }
0x12: {  	s3 =	sadd.s32 $0x13880, s28;
	s7 =	sadd.s32 s11, s29;
	s15 =	sshll.u32 s10, $0xB  }
0x13: {  	s12 =	sadd.s32 $0x1000, s12;
	s5 =	sadd.s32 $0x1E7000, s6;
	s6 =	smax.u32 s9, $0x1  }
0x14: {  	s8 =	sadd.s32 $0x800, s7;
	s9 =	sadd.s32 $0x13000, s7;
	s11 =	sadd.s32 s15, s11  }
0x15: {  	s10 =	sadd.s32 $0x13800, s7;
	s15 =	simm.s32 $0x5;
	s11 =	sadd.s32 $0x1800, s11  }
.LBB2_1:
.Ltmp0:
0x16: {  	(pc) =	sbr.rel @p0 .LBB2_4-.Ltmp0, $1  }
0x17: {  	_ =	sdelay $0x3  }
.Ltmp1:
0x18: {  	(pc) =	sbr.rel @p1 .LBB2_6-.Ltmp1, $1  }
0x19: {  	_ =	sdelay $0x3  }
.Ltmp2:
0x1a: {  	(pc) =	sbr.rel .LBB2_5-.Ltmp2, $3  }
0x1b: {  	_ =	sdelay $0x1  }
0x1c: {  	s28 =	sshrl.u32 s1, $0x3  }
0x1d: {  	[spmem:s28], [sflag:s25] =	dma.local [hbm:s4], $0x13880  }
.LBB2_4:
0x1e: {  	[spmem:s13], [sflag:s14] =	dma.local [hbm:s3], $0x13880  }
.LBB2_5:
0x1f: {  	_ =	swait.ge [sflag:s15], $0x13880  }
0x20: {  	[sflag:s15] =	ssyncset.done $0x0  }
0x21: {  	[sflag:s15] =	ssyncadd.s32 $0xFFFEC780  }
.LBB2_6:
0x22: {  	s28 =	simm.s32 $0x0  }
0x23: {  	[tilespmem:s28], [sflag:$0x5] =	stream.linear.gather [hbm4b:s5+s28], $0x1400, $0x38;
	[tilespmem:$0x1CC80] =	vst v63  }
0x24: {  	_ =	swait.ge [sflag:s15], $0x1400  }
0x25: {  	[sflag:s15] =	ssyncset.done $0x0  }
0x26: {  	[sflag:s15] =	ssyncadd.s32 $0xFFFFEC00  }
0x27: {  	[bflag:$0x0] =	sbarrier.arrive $0xFFFF  }
0x28: {  	[tilespmem:s17], [sflag:$0x1] =	stream.indirect.gather [spmem:s1], $0x80, s28, s16, $0xb8;
	[tilespmem:$0x1CC80] =	vst v63  }
0x29: {  	_ = 	snop  }
0x2a: {  	[tilespmem:s18], [sflag:$0x2] =	stream.indirect.gather [spmem:s1], $0x80, s16, s16, $0xb8;
	[tilespmem:$0x1CC80] =	vst v63  }
0x2b: {  	_ =	swait.ge [sflag:s19], $0x4000  }
0x2c: {  	[sflag:s19] =	ssyncset.done $0x0  }
0x2d: {  	[sflag:s19] =	ssyncadd.s32 $0xFFFFC000  }
0x2e: {  	[hbm4b:s7+s28] =	stream.linear.scatter [tilespmem:s17], [sflag:$0x3], $0x4000, $0x38;
	[tilespmem:$0x1CC80] =	vst v63  }
0x2f: {  	_ =	swait.ge [sflag:s20], $0x4000  }
0x30: {  	[sflag:s20] =	ssyncset.done $0x0  }
0x31: {  	[sflag:s20] =	ssyncadd.s32 $0xFFFFC000  }
0x32: {  	[tilespmem:s17], [sflag:$0x1] =	stream.indirect.gather [spmem:s1], $0x80, s21, s16, $0xb8;
	[tilespmem:$0x1CC80] =	vst v63  }
0x33: {  	_ =	swait.ge [sflag:s22], $0x4000  }
0x34: {  	[sflag:s22] =	ssyncset.done $0x0  }
0x35: {  	[sflag:s22] =	ssyncadd.s32 $0xFFFFC000  }
0x36: {  	[hbm4b:s8+s28] =	stream.linear.scatter [tilespmem:s18], [sflag:$0x4], $0x4000, $0x38;
	[tilespmem:$0x1CC80] =	vst v63  }
0x37: {  	_ =	swait.ge [sflag:s23], $0x4000  }
0x38: {  	[sflag:s23] =	ssyncset.done $0x0  }
0x39: {  	s28 =	simm.s32 $0x180;
	[sflag:s23] =	ssyncadd.s32 $0xFFFFC000  }
0x3a: {  	[tilespmem:s18], [sflag:$0x2] =	stream.indirect.gather [spmem:s1], $0x80, s28, s16, $0xb8;
	[tilespmem:$0x1CC80] =	vst v63  }
0x3b: {  	_ =	swait.ge [sflag:s19], $0x4000  }
0x3c: {  	[sflag:s19] =	ssyncset.done $0x0  }
0x3d: {  	s28 =	sadd.s32 $0x0, s12;
	[sflag:s19] =	ssyncadd.s32 $0xFFFFC000  }
0x3e: {  	[hbm4b:s28+s2] =	stream.linear.scatter [tilespmem:s17], [sflag:$0x3], $0x4000, $0x38;
	[tilespmem:$0x1CC80] =	vst v63  }
0x3f: {  	_ =	swait.ge [sflag:s20], $0x4000  }
0x40: {  	[sflag:s20] =	ssyncset.done $0x0  }
0x41: {  	s28 =	simm.s32 $0x200;
	[sflag:s20] =	ssyncadd.s32 $0xFFFFC000  }
0x42: {  	[tilespmem:s17], [sflag:$0x1] =	stream.indirect.gather [spmem:s1], $0x80, s28, s16, $0xb8;
	[tilespmem:$0x1CC80] =	vst v63  }
0x43: {  	_ =	swait.ge [sflag:s22], $0x4000  }
0x44: {  	s30 =	sadd.s32 $0x0, s11;
	[sflag:s22] =	ssyncset.done $0x0  }
0x45: {  	s29 =	simm.s32 $0x300;
	s28 =	simm.s32 $0x1000;
	[sflag:s22] =	ssyncadd.s32 $0xFFFFC000  }
.LBB2_7:
0x46: {  	[hbm4b:s30+s2] =	stream.linear.scatter [tilespmem:s18], [sflag:$0x4], $0x4000, $0x38;
	[tilespmem:$0x1CC80] =	vst v63  }
0x47: {  	s30 =	smov.u32 s28  }
0x48: {  	p2 =	sne.s32 s28, $0x11000;
	s28 =	sadd.s32 $0x1000, s28;
	_ =	swait.ge [sflag:s23], $0x4000  }
0x49: {  	[sflag:s23] =	ssyncset.done $0x0  }
0x4a: {  	s31 =	sadd.s32 $0xFFFFFF80, s29;
	[sflag:s23] =	ssyncadd.s32 $0xFFFFC000  }
0x4b: {  	[tilespmem:s18], [sflag:$0x2] =	stream.indirect.gather [spmem:s1], $0x80, s31, s16, $0xb8;
	[tilespmem:$0x1CC80] =	vst v63  }
0x4c: {  	_ =	swait.ge [sflag:s19], $0x4000  }
0x4d: {  	[sflag:s19] =	ssyncset.done $0x0  }
0x4e: {  	s31 =	sadd.s32 s30, s12;
	[sflag:s19] =	ssyncadd.s32 $0xFFFFC000  }
0x4f: {  	[hbm4b:s31+s2] =	stream.linear.scatter [tilespmem:s17], [sflag:$0x3], $0x4000, $0x38;
	[tilespmem:$0x1CC80] =	vst v63  }
0x50: {  	_ =	swait.ge [sflag:s20], $0x4000  }
0x51: {  	[sflag:s20] =	ssyncset.done $0x0  }
.Ltmp3:
0x52: {  	[sflag:s20] =	ssyncadd.s32 $0xFFFFC000;
	(pc) =	sbr.rel @p2 .LBB2_7-.Ltmp3, $4  }
0x53: {  	[tilespmem:s17], [sflag:$0x1] =	stream.indirect.gather [spmem:s1], $0x80, s29, s16, $0xb8;
	[tilespmem:$0x1CC80] =	vst v63  }
0x54: {  	_ =	swait.ge [sflag:s22], $0x4000  }
0x55: {  	[sflag:s22] =	ssyncset.done $0x0  }
0x56: {  	s30 =	sadd.s32 s30, s11;
	s29 =	sadd.s32 $0x100, s29;
	[sflag:s22] =	ssyncadd.s32 $0xFFFFC000  }
0x57: {  	[hbm4b:s30+s2] =	stream.linear.scatter [tilespmem:s18], [sflag:$0x4], $0x4000, $0x38;
	[tilespmem:$0x1CC80] =	vst v63  }
0x58: {  	_ =	swait.ge [sflag:s23], $0x4000  }
0x59: {  	[sflag:s23] =	ssyncset.done $0x0  }
0x5a: {  	[sflag:s23] =	ssyncadd.s32 $0xFFFFC000  }
0x5b: {  	[tilespmem:s18], [sflag:$0x2] =	stream.indirect.gather [spmem:s1], $0x80, s24, s16, $0xb8;
	[tilespmem:$0x1CC80] =	vst v63  }
0x5c: {  	_ =	swait.ge [sflag:s19], $0x4000  }
0x5d: {  	[sflag:s19] =	ssyncset.done $0x0  }
0x5e: {  	[sflag:s19] =	ssyncadd.s32 $0xFFFFC000  }
0x5f: {  	[hbm4b:s9+s2] =	stream.linear.scatter [tilespmem:s17], [sflag:$0x3], $0x4000, $0x38;
	[tilespmem:$0x1CC80] =	vst v63  }
0x60: {  	_ =	swait.ge [sflag:s20], $0x4000  }
0x61: {  	[sflag:s20] =	ssyncset.done $0x0  }
0x62: {  	[sflag:s20] =	ssyncadd.s32 $0xFFFFC000  }
0x63: {  	s26 =	sadd.s32 $0x1, s26;
	_ =	swait.ge [sflag:s22], $0x4000  }
0x64: {  	p2 =	sne.s32 s26, s6;
	[sflag:s22] =	ssyncset.done $0x0  }
.Ltmp4:
0x65: {  	[sflag:s22] =	ssyncadd.s32 $0xFFFFC000;
	(pc) =	sbr.rel @p2 .LBB2_1-.Ltmp4, $4  }
0x66: {  	[hbm4b:s10+s2] =	stream.linear.scatter [tilespmem:s18], [sflag:$0x4], $0x4000, $0x38;
	[tilespmem:$0x1CC80] =	vst v63  }
0x67: {  	_ =	swait.ge [sflag:s23], $0x4000  }
0x68: {  	[sflag:s23] =	ssyncset.done $0x0  }
0x69: {  	[sflag:s23] =	ssyncadd.s32 $0xFFFFC000  }
0x6a: {  	_ =	sfence.sel $0x180000  }
0x6b: {  	[bflag:$0x0] =	sbarrier.arrive $0xFFFF  }
0x6c: {  	_ =	strace $0x9000004D  }
0x6d: {  	s0 =	sadd.s32 @!p1 $0x100000, s0;
	[bflag:$0x2] =	sbarrier.arrive $0xFFFF  }
0x6e: {  	[sflag:s0] =	ssyncadd.tile.s32 @!p1 $0x1;
	_ =	shalt  }
.Lfunc_end2:
_tile_overlayer_lowered:
.L_overlay_start_2:
0x6f: {  	(tag) =	ssettag $0x2  }
0x70: {  	s0 =	rddreg [dreg:$0x0];
	s2 =	stileid.u32  }
0x71: {  	s1 =	rddreg [dreg:$0x1];
	p0 =	sne.s32 s2, $0x0  }
0x72: {  	s3 =	rddreg [dreg:$0x2];
	[bflag:$0x3] =	sbarrier.arrive $0xFFFF;
	s2 =	simm.s32 @!p0 $0x1C05  }
0x73: {  	[timem:s3], [sflag:s2] =	dma.local @!p0 [hbm:s0], s1  }
0x74: {  	s0 =	simm.s32 @!p0 $0x5  }
0x75: {  	_ =	swait.ge @!p0 [sflag:s0], s1  }
0x76: {  	s1 =	ssub.s32 @!p0 $0x0, s1;
	[sflag:s0] =	ssyncset.done @!p0 $0x0  }
0x77: {  	[sflag:s0] =	ssyncadd.s32 @!p0 s1  }
0x78: {  	[bflag:$0x3] =	sbarrier.arrive $0xFFFF  }
0x79: {  	_ =	shalt  }

// kernel: kernel.9.cloned.1.call-start
scs
__scs_entry_jumppad:
0x0: {  	(pc) =	sbr.rel $0x88, $3  }
0x1: {  	(tag) =	ssettag $0x0;
	lr =	simm.s32 $0x1  }
0x2: {  	[smem:$0x3F98] =	sst lr;
	_ =	strace $0xD0000000  }
0x3: {  	_ = 	snop  }
0x4: {  	_ = 	snop  }
0x5: {  	_ = 	snop  }
0x6: {  	_ = 	snop  }
0x7: {  	_ = 	snop  }
__scs_overlays_trampoline_lowered:
0x8: {  	[smem:$0x3FA7] =	sst s0  }
0x9: {  	[smem:$0x3FA8] =	sst s1  }
0xa: {  	[smem:$0x3FA9] =	sst s2  }
0xb: {  	[smem:$0x3FAA] =	sst s3  }
0xc: {  	[smem:$0x3FAB] =	sst s4  }
0xd: {  	[smem:$0x3FAC] =	sst s5  }
0xe: {  	[smem:$0x3FAD] =	sst s6  }
0xf: {  	[smem:$0x3FAE] =	sst s7  }
0x10: {  	[smem:$0x3FAF] =	sst s8  }
0x11: {  	[smem:$0x3FB0] =	sst s9;
	s0 =	simm.s32 @!p0 $0x0  }
0x12: {  	s1 =	sld [smem:$0x3F96];
	s0 =	simm.s32 @p0 $0x1  }
0x13: {  	[smem:$0x3FB1] =	sst s0;
	s0 =	simm.s32 @!p1 $0x0  }
0x14: {  	s2 =	sld [smem:$0x3F95];
	s0 =	simm.s32 @p1 $0x1  }
0x15: {  	[smem:$0x3FB2] =	sst s0;
	s0 =	simm.s32 @!p2 $0x0  }
0x16: {  	s3 =	sld [smem:$0x3FDB];
	s0 =	simm.s32 @p2 $0x1  }
0x17: {  	s4 =	simm.s32 $0x1BF5;
	[smem:$0x3FB4] =	sst s0  }
0x18: {  	s0 =	sld [smem:$0x3F97];
	_ =	swait.ge [sflag:s4], $0x0  }
0x19: {  	s7 =	sld [smem:$0x3F98]  }
0x1a: {  	s8 =	sadd.s32 $0xFFFFE003, lr  }
0x1b: {  	s9 =	sadd.s32 $0xFFFFFEF7, lr;
	s5 =	simm.s32 $0xFFFFFFFF;
	p2 =	slt.u32 s8, $0xFFFFF086  }
0x1c: {  	p1 =	slt.u32 s9, $0xF7A;
	s5 =	simm.s32 @!p2 $0x0  }
0x1d: {  	s5 =	simm.s32 @p1 $0x1;
	p0 =	seq.s32 s7, s2  }
0x1e: {  	s7 =	smul.u32 @!p0 $0xF7A, s2;
	p2 =	seq.s32 @!p0 s5, $0x0  }
0x1f: {  	s9 =	smul.u32 $0xF7A, s1;
	s8 =	simm.s32 @!p0 $0x1BF5;
	p2 =	por !p2, p0  }
0x20: {  	[sflag:s8] =	ssyncset.s32 @!p0 $0xFFFFF086;
	s6 =	sadd.s32 @!p0 s3, s7;
	s7 =	simm.s32 @!p0 $0x108  }
0x21: {  	s3 =	sadd.s32 s3, s9;
	s6 =	sadd.s32 @!p0 $0x88, s6;
	s7 =	simm.s32 @p2 $0x1082  }
0x22: {  	[simem:s7], [sflag:s8] =	dma.local @!p0 [hbm:s6], $0xF7A  }
0x23: {  	s9 =	sor.u32 $0xD0000000, s2;
	s6 =	simm.s32 $0x108;
	_ =	swait.ge @!p0 [sflag:s8], $0x0  }
0x24: {  	s3 =	sadd.s32 $0x88, s3;
	s6 =	simm.s32 @!p1 $0x1082;
	[sflag:s4] =	ssyncset.s32 $0xFFFFF086  }
0x25: {  	[simem:s6], [sflag:s4] =	dma.local [hbm:s3], $0xF7A  }
0x26: {  	[smem:$0x3F98] =	sst s1;
	(tag) =	ssettag s2;
	_ =	strace s9  }
0x27: {  	s1 =	sld [smem:$0x3FA8]  }
0x28: {  	s2 =	sld [smem:$0x3FA9]  }
0x29: {  	s4 =	sld [smem:$0x3FAB]  }
0x2a: {  	p0 =	seq.s32 s5, $0x0;
	s5 =	sld [smem:$0x3FAC]  }
0x2b: {  	s6 =	sld [smem:$0x3FAD]  }
0x2c: {  	s7 =	sld [smem:$0x3FAE]  }
0x2d: {  	s3 =	simm.s32 $0x108;
	s8 =	sld [smem:$0x3FAF]  }
0x2e: {  	s3 =	simm.s32 @!p0 $0x1082;
	s9 =	sld [smem:$0x3FB0]  }
0x2f: {  	lr =	sadd.s32 s0, s3;
	s0 =	sld [smem:$0x3FA7]  }
0x30: {  	s3 =	sld [smem:$0x3FAA]  }
0x31: {  	[smem:$0x3FB3] =	sst s10  }
0x32: {  	s10 =	sld [smem:$0x3FB1];
	_ =	sdelay $0x3  }
0x33: {  	p0 =	seq.s32 s10, $0x1;
	s10 =	sld [smem:$0x3FB3];
	_ =	sdelay $0x3  }
0x34: {  	[smem:$0x3FB3] =	sst s10  }
0x35: {  	s10 =	sld [smem:$0x3FB2];
	_ =	sdelay $0x3  }
0x36: {  	p1 =	seq.s32 s10, $0x1;
	s10 =	sld [smem:$0x3FB3];
	_ =	sdelay $0x3  }
0x37: {  	[smem:$0x3FB3] =	sst s10  }
0x38: {  	s10 =	sld [smem:$0x3FB4]  }
0x39: {  	_ = 	snop;
	(pc) =	sbr.ind lr, $3  }
0x3a: {  	_ = 	snop  }
0x3b: {  	_ = 	snop  }
0x3c: {  	p2 =	seq.s32 s10, $0x1;
	s10 =	sld [smem:$0x3FB3]  }
0x3d: {  	_ =	shalt  }
0x3e: {  	_ =	shalt  }
0x3f: {  	_ =	shalt  }
0x40: {  	_ =	shalt  }
0x41: {  	_ =	shalt  }
0x42: {  	_ =	shalt  }
0x43: {  	_ =	shalt  }
0x44: {  	_ =	shalt  }
0x45: {  	_ =	shalt  }
0x46: {  	_ =	shalt  }
0x47: {  	_ =	shalt  }
0x48: {  	_ =	shalt  }
0x49: {  	_ =	shalt  }
0x4a: {  	_ =	shalt  }
0x4b: {  	_ =	shalt  }
0x4c: {  	_ =	shalt  }
0x4d: {  	_ =	shalt  }
0x4e: {  	_ =	shalt  }
0x4f: {  	_ =	shalt  }
0x50: {  	_ =	shalt  }
0x51: {  	_ =	shalt  }
0x52: {  	_ =	shalt  }
0x53: {  	_ =	shalt  }
0x54: {  	_ =	shalt  }
0x55: {  	_ =	shalt  }
0x56: {  	_ =	shalt  }
0x57: {  	_ =	shalt  }
0x58: {  	_ =	shalt  }
0x59: {  	_ =	shalt  }
0x5a: {  	_ =	shalt  }
0x5b: {  	_ =	shalt  }
0x5c: {  	_ =	shalt  }
0x5d: {  	_ =	shalt  }
0x5e: {  	_ =	shalt  }
0x5f: {  	_ =	shalt  }
0x60: {  	_ =	shalt  }
0x61: {  	_ =	shalt  }
0x62: {  	_ =	shalt  }
0x63: {  	_ =	shalt  }
0x64: {  	_ =	shalt  }
0x65: {  	_ =	shalt  }
0x66: {  	_ =	shalt  }
0x67: {  	_ =	shalt  }
0x68: {  	_ =	shalt  }
0x69: {  	_ =	shalt  }
0x6a: {  	_ =	shalt  }
0x6b: {  	_ =	shalt  }
0x6c: {  	_ =	shalt  }
0x6d: {  	_ =	shalt  }
0x6e: {  	_ =	shalt  }
0x6f: {  	_ =	shalt  }
0x70: {  	_ =	shalt  }
0x71: {  	_ =	shalt  }
0x72: {  	_ =	shalt  }
0x73: {  	_ =	shalt  }
0x74: {  	_ =	shalt  }
0x75: {  	_ =	shalt  }
0x76: {  	_ =	shalt  }
0x77: {  	_ =	shalt  }
0x78: {  	_ =	shalt  }
0x79: {  	_ =	shalt  }
0x7a: {  	_ =	shalt  }
0x7b: {  	_ =	shalt  }
0x7c: {  	_ =	shalt  }
0x7d: {  	_ =	shalt  }
0x7e: {  	_ =	shalt  }
0x7f: {  	_ =	shalt  }
0x80: {  	_ =	shalt  }
0x81: {  	_ =	shalt  }
0x82: {  	_ =	shalt  }
0x83: {  	_ =	shalt  }
0x84: {  	_ =	shalt  }
0x85: {  	_ =	shalt  }
0x86: {  	_ =	shalt  }
0x87: {  	_ =	shalt  }
.Lfunc_end0:
.L_simem_size_0:
called_computation_lowered:
.L_overlay_start_0:
0x88: {  	s2 =	sld [smem:$0x3FD9]  }
0x89: {  	s3 =	sld [smem:$0x3FFE];
	_ =	sdelay $0x1  }
0x8a: {  	s1 =	srdreg.scid  }
0x8b: {  	s0 =	sand.u32 $0x1, s1  }
0x8c: {  	s14 =	sshll.u32 s0, $0xA;
	s2 =	sadd.s32 s3, s2  }
0x8d: {  	s2 =	sadd.s32 s2, s14  }
0x8e: {  	[smem:$0x3FBF] =	sst s2  }
0x8f: {  	_ = 	snop  }
0x90: {  	s2 =	sld [smem:$0x3FD0];
	_ =	sdelay $0x2  }
0x91: {  	s15 =	simm.s32 $0xC;
	s4 =	simm.s32 $0x10  }
0x92: {  	[smem:s4], [sflag:s15] =	dma.local [hbm:s2], $0x1  }
0x93: {  	_ =	swait.eq [sflag:s15], $0x1  }
0x94: {  	[sflag:s15] =	ssyncset.done $0x0  }
0x95: {  	s16 =	sld [smem:$0x10];
	[sflag:s15] =	ssyncadd.s32 $0xFFFFFFFF  }
0x96: {  	s17 =	sld [smem:$0x11];
	(tm) =	ssettm $0x1  }
0x97: {  	s18 =	sld [smem:$0x3FFB];
	_ =	sdelay $0x3  }
0x98: {  	_ =	strace s18  }
0x99: {  	s4 =	sld [smem:$0x3FFC];
	_ =	sdelay $0x3  }
0x9a: {  	_ =	strace s4  }
0x9b: {  	s4 =	sld [smem:$0x3FFD];
	_ =	sdelay $0x3  }
0x9c: {  	_ =	strace s4  }
0x9d: {  	_ =	strace $0x8FFFFFFF  }
0x9e: {  	s19 =	sld [smem:$0x3FDB];
	_ =	sdelay $0x1  }
0x9f: {  	s5 =	simm.s32 $_scs_section_size  }
0xa0: {  	s6 =	simm.s32 $_size__tile_overlayer_lowered;
	s7 =	simm.s32 $_tile_overlayer_lowered  }
0xa1: {  	s22 =	simm.s32 $0x1BFF;
	s21 =	sshll.u32 s7, $0x1;
	s4 =	sadd.s32 s5, s19  }
0xa2: {  	s8 =	simm.s32 $0x0;
	s20 =	sshll.u32 s6, $0x1;
	s6 =	sadd.s32 s21, s4  }
0xa3: {  	[timem:s8], [sflag:s22] =	dma.local [hbm:s6], s20  }
0xa4: {  	_ =	swait.ge [sflag:s22], s20  }
0xa5: {  	s5 =	ssub.s32 $0x0, s20;
	[sflag:s22] =	ssyncset.done $0x0  }
0xa6: {  	[sflag:s22] =	ssyncadd.s32 s5;
	_ =	sdelay $0x1  }
0xa7: {  	s23 =	simm.s32 $0x1B8B  }
0xa8: {  	_ =	swait.ge [sflag:s23], $0x1  }
0xa9: {  	[sflag:s23] =	ssyncset.done $0x0  }
0xaa: {  	s25 =	simm.s32 $0x1B8E;
	s24 =	sld [smem:$0x3FFE];
	[sflag:s23] =	ssyncadd.s32 $0xFFFFFFFF  }
0xab: {  	s26 =	simm.s32 $execute0_lowered;
	[smem:$0x3FD2] =	sst s25  }
0xac: {  	s6 =	sshll.u32 s26, $0x1;
	_ =	strace $0x80000046;
	[dreg:$0x1] =	wrdreg $0xFFFFFFFF  }
0xad: {  	s28 =	simm.s32 $_size_execute0_lowered;
	s4 =	sadd.s32 s4, s6;
	[dreg:$0x0] =	wrdreg $0x0  }
0xae: {  	s6 =	sshll.u32 s28, $0x1;
	[dreg:$0x2] =	wrdreg s4  }
0xaf: {  	[dreg:$0x3] =	wrdreg s6  }
0xb0: {  	[dreg:$0x4] =	wrdreg $0xC0  }
0xb1: {  	_ =	task [dreg:s8], $0x5FFFF  }
0xb2: {  	[dreg:$0x1] =	wrdreg $0xFFFFFFFF  }
0xb3: {  	[dreg:$0x0] =	wrdreg $0x60  }
0xb4: {  	[dreg:$0x2] =	wrdreg s17  }
0xb5: {  	[dreg:$0x3] =	wrdreg s24  }
0xb6: {  	[dreg:$0x4] =	wrdreg s16  }
0xb7: {  	[dreg:$0x5] =	wrdreg $0x5000  }
0xb8: {  	[dreg:$0x6] =	wrdreg $0x9  }
0xb9: {  	_ =	task.clear_ibuf [dreg:s8], $0x7FFFF;
	_ =	strace $0x90000046  }
0xba: {  	s29 =	simm.s32 $0x9;
	_ =	strace $0x80000048  }
0xbb: {  	_ =	swait.ge [sflag:s29], $0x1  }
0xbc: {  	[sflag:s29] =	ssyncadd.s32 $0xFFFFFFFF  }
0xbd: {  	_ =	strace $0x90000048  }
0xbe: {  	_ =	sfence  }
0xbf: {  	s30 =	sld [smem:$0x0];
	_ =	sdelay $0x2  }
0xc0: {  	s31 =	sshll.u32 s1, $0xD;
	s1 =	sshrl.u32 s1, $0x2  }
0xc1: {  	s3 =	sand.u32 $0x4000, s31;
	s1 =	sadd.s32 s1, s30  }
0xc2: {  	s0 =	sor.u32 s3, s0;
	s1 =	sshll.u32 s1, $0x11  }
0xc3: {  	s0 =	sor.u32 s1, s0  }
0xc4: {  	s0 =	sadd.s32 $0x8F2B, s0  }
0xc5: {  	[sflag:s0] =	ssyncadd.remote.s32 $0x1  }
0xc6: {  	_ =	sfence.sel $0xFFFF  }
0xc7: {  	[dreg:$0x0] =	wrdreg $0xFFFFFFFF;
	(pc) =	sbr.abs _section_cstart, $3  }
0xc8: {  	[dreg:$0x1] =	wrdreg $0xFFFFFFFF  }
0xc9: {  	_ =	task.clear_ibuf [dreg:s8], $0x2FFFF;
	_ =	strace $0x9FFFFFFF  }
0xca: {  	(tm) =	ssettm $0x7FFFFFFF  }
0xcb: {  	_ =	shalt  }
tec
execute0_lowered:
.L_overlay_start_1:
0x0: {  	(tag) =	ssettag $0x1  }
0x1: {  	s0 =	rddreg [dreg:$0x0]  }
0x2: {  	s1 =	srdreg.scid;
	s3 =	rddreg [dreg:$0x1]  }
0x3: {  	s7 =	rddreg [dreg:$0x2];
	s18 =	stileid.u32  }
0x4: {  	s19 =	simm.s32 $0x5;
	s20 =	simm.s32 $0x80;
	s21 =	simm.s32 $0x13D80  }
0x5: {  	s22 =	simm.s32 $0x17D80;
	s29 =	simm.s32 $0x100;
	s28 =	simm.s32 $0x4  }
0x6: {  	s30 =	simm.s32 $0x200;
	s31 =	simm.s32 $0x280;
	s4 =	sand.u32 $0x1, s1  }
0x7: {  	s1 =	rddreg [dreg:$0x3];
	p0 =	seq.s32 s18, $0x1;
	p1 =	sne.s32 s18, $0x0  }
0x8: {  	s2 =	sshll.u32 s4, $0x4;
	s8 =	smul.u32 $0x138800, s4;
	s23 =	ssub.s32 $0x2, s4  }
0x9: {  	s4 =	smul.u32 $0x27100, s4;
	s17 =	sadd.s32 $0x9C400, s1;
	s5 =	sor.u32 s18, s2  }
0xa: {  	s2 =	simm.s32 $0x0;
	s9 =	sshrl.u32 s23, $0x1;
	s26 =	sshrl.u32 s17, $0x3  }
0xb: {  	s18 =	simm.s32 $0x380;
	s6 =	smul.u32 $0xA0, s5;
	[smem:$0x7FF] =	sst s2  }
0xc: {  	s8 =	sshrl.u32 s8, $0x3;
	s24 =	smul.u32 $0x5000, s5;
	_ =	strace $0x80000047  }
0xd: {  	s8 =	sadd.s32 s0, s8;
	s0 =	sadd.s32 s0, s4;
	[dreg:$0x7] =	wrdreg s26  }
0xe: {  	s26 =	simm.s32 $0x2;
	s4 =	simm.s32 $0x480;
	s3 =	sadd.s32 s6, s3  }
0xf: {  	s6 =	ssub.s32 s23, s9;
	s25 =	sadd.s32 $0x13880, s8;
	[dreg:$0x6] =	wrdreg s0  }
0x10: {  	s7 =	sadd.s32 s7, s24;
	s23 =	simm.s32 $0x1;
	s24 =	simm.s32 $0x3  }
.Ltmp0:
0x11: {  	s0 =	simm.s32 $0x300;
	[dreg:$0x5] =	wrdreg s25;
	(pc) =	sbr.rel .LBB2_1-.Ltmp0, $4  }
0x12: {  	s5 =	sadd.s32 $0x2000, s3;
	s6 =	smax.u32 s6, $0x1;
	s8 =	sadd.s32 $0x800, s7  }
0x13: {  	s9 =	sadd.s32 $0x1000, s7;
	s10 =	sadd.s32 $0x1800, s7;
	s11 =	sadd.s32 $0x2000, s7  }
0x14: {  	s12 =	sadd.s32 $0x2800, s7;
	s13 =	sadd.s32 $0x3000, s7;
	s14 =	sadd.s32 $0x3800, s7  }
0x15: {  	s15 =	sadd.s32 $0x4000, s7;
	s16 =	sadd.s32 $0x4800, s7;
	s3 =	simm.s32 $0x400  }
.LBB2_4:
0x16: {  	s17 =	rddreg [dreg:$0x5]  }
0x17: {  	s25 =	rddreg [dreg:$0x7];
	s29 =	simm.s32 $0x1C45  }
0x18: {  	[spmem:s25], [sflag:s29] =	dma.local [hbm:s17], $0x13880  }
0x19: {  	s29 =	simm.s32 $0x100  }
.LBB2_5:
0x1a: {  	_ =	swait.ge [sflag:s19], $0x13880  }
0x1b: {  	[sflag:s19] =	ssyncset.done $0x0  }
0x1c: {  	[sflag:s19] =	ssyncadd.s32 $0xFFFEC780  }
.LBB2_6:
0x1d: {  	[tilespmem:s2], [sflag:$0x5] =	stream.linear.gather [hbm4b:s5+s2], $0x500, $0x38;
	[tilespmem:$0x1BD80] =	vst v63  }
0x1e: {  	_ =	swait.ge [sflag:s19], $0x500  }
0x1f: {  	[sflag:s19] =	ssyncset.done $0x0  }
0x20: {  	[sflag:s19] =	ssyncadd.s32 $0xFFFFFB00  }
0x21: {  	[bflag:$0x0] =	sbarrier.arrive $0xFFFF  }
0x22: {  	[tilespmem:s21], [sflag:$0x1] =	stream.indirect.gather [spmem:s1], $0x80, s2, s20, $0xb8;
	[tilespmem:$0x1BD80] =	vst v63  }
0x23: {  	_ = 	snop  }
0x24: {  	[tilespmem:s22], [sflag:$0x2] =	stream.indirect.gather [spmem:s1], $0x80, s20, s20, $0xb8;
	[tilespmem:$0x1BD80] =	vst v63  }
0x25: {  	_ =	swait.ge [sflag:s23], $0x4000  }
0x26: {  	[sflag:s23] =	ssyncset.done $0x0  }
0x27: {  	[sflag:s23] =	ssyncadd.s32 $0xFFFFC000  }
0x28: {  	[hbm4b:s7+s2] =	stream.linear.scatter [tilespmem:s21], [sflag:$0x3], $0x4000, $0x38;
	[tilespmem:$0x1BD80] =	vst v63  }
0x29: {  	_ =	swait.ge [sflag:s24], $0x4000  }
0x2a: {  	[sflag:s24] =	ssyncset.done $0x0  }
0x2b: {  	[sflag:s24] =	ssyncadd.s32 $0xFFFFC000  }
0x2c: {  	[tilespmem:s21], [sflag:$0x1] =	stream.indirect.gather [spmem:s1], $0x80, s29, s20, $0xb8;
	[tilespmem:$0x1BD80] =	vst v63  }
0x2d: {  	_ =	swait.ge [sflag:s26], $0x4000  }
0x2e: {  	[sflag:s26] =	ssyncset.done $0x0  }
0x2f: {  	[sflag:s26] =	ssyncadd.s32 $0xFFFFC000  }
0x30: {  	[hbm4b:s8+s2] =	stream.linear.scatter [tilespmem:s22], [sflag:$0x4], $0x4000, $0x38;
	[tilespmem:$0x1BD80] =	vst v63  }
0x31: {  	_ =	swait.ge [sflag:s28], $0x4000  }
0x32: {  	[sflag:s28] =	ssyncset.done $0x0  }
0x33: {  	s17 =	simm.s32 $0x180;
	[sflag:s28] =	ssyncadd.s32 $0xFFFFC000  }
0x34: {  	[tilespmem:s22], [sflag:$0x2] =	stream.indirect.gather [spmem:s1], $0x80, s17, s20, $0xb8;
	[tilespmem:$0x1BD80] =	vst v63  }
0x35: {  	_ =	swait.ge [sflag:s23], $0x4000  }
0x36: {  	[sflag:s23] =	ssyncset.done $0x0  }
0x37: {  	[sflag:s23] =	ssyncadd.s32 $0xFFFFC000  }
0x38: {  	[hbm4b:s9+s2] =	stream.linear.scatter [tilespmem:s21], [sflag:$0x3], $0x4000, $0x38;
	[tilespmem:$0x1BD80] =	vst v63  }
0x39: {  	_ =	swait.ge [sflag:s24], $0x4000  }
0x3a: {  	[sflag:s24] =	ssyncset.done $0x0  }
0x3b: {  	[sflag:s24] =	ssyncadd.s32 $0xFFFFC000  }
0x3c: {  	[tilespmem:s21], [sflag:$0x1] =	stream.indirect.gather [spmem:s1], $0x80, s30, s20, $0xb8;
	[tilespmem:$0x1BD80] =	vst v63  }
0x3d: {  	_ =	swait.ge [sflag:s26], $0x4000  }
0x3e: {  	[sflag:s26] =	ssyncset.done $0x0  }
0x3f: {  	[sflag:s26] =	ssyncadd.s32 $0xFFFFC000  }
0x40: {  	[hbm4b:s10+s2] =	stream.linear.scatter [tilespmem:s22], [sflag:$0x4], $0x4000, $0x38;
	[tilespmem:$0x1BD80] =	vst v63  }
0x41: {  	_ =	swait.ge [sflag:s28], $0x4000  }
0x42: {  	[sflag:s28] =	ssyncset.done $0x0  }
0x43: {  	[sflag:s28] =	ssyncadd.s32 $0xFFFFC000  }
0x44: {  	[tilespmem:s22], [sflag:$0x2] =	stream.indirect.gather [spmem:s1], $0x80, s31, s20, $0xb8;
	[tilespmem:$0x1BD80] =	vst v63  }
0x45: {  	_ =	swait.ge [sflag:s23], $0x4000  }
0x46: {  	[sflag:s23] =	ssyncset.done $0x0  }
0x47: {  	[sflag:s23] =	ssyncadd.s32 $0xFFFFC000  }
0x48: {  	[hbm4b:s11+s2] =	stream.linear.scatter [tilespmem:s21], [sflag:$0x3], $0x4000, $0x38;
	[tilespmem:$0x1BD80] =	vst v63  }
0x49: {  	_ =	swait.ge [sflag:s24], $0x4000  }
0x4a: {  	[sflag:s24] =	ssyncset.done $0x0  }
0x4b: {  	[sflag:s24] =	ssyncadd.s32 $0xFFFFC000  }
0x4c: {  	[tilespmem:s21], [sflag:$0x1] =	stream.indirect.gather [spmem:s1], $0x80, s0, s20, $0xb8;
	[tilespmem:$0x1BD80] =	vst v63  }
0x4d: {  	_ =	swait.ge [sflag:s26], $0x4000  }
0x4e: {  	[sflag:s26] =	ssyncset.done $0x0  }
0x4f: {  	[sflag:s26] =	ssyncadd.s32 $0xFFFFC000  }
0x50: {  	[hbm4b:s12+s2] =	stream.linear.scatter [tilespmem:s22], [sflag:$0x4], $0x4000, $0x38;
	[tilespmem:$0x1BD80] =	vst v63  }
0x51: {  	_ =	swait.ge [sflag:s28], $0x4000  }
0x52: {  	[sflag:s28] =	ssyncset.done $0x0  }
0x53: {  	[sflag:s28] =	ssyncadd.s32 $0xFFFFC000  }
0x54: {  	[tilespmem:s22], [sflag:$0x2] =	stream.indirect.gather [spmem:s1], $0x80, s18, s20, $0xb8;
	[tilespmem:$0x1BD80] =	vst v63  }
0x55: {  	_ =	swait.ge [sflag:s23], $0x4000  }
0x56: {  	[sflag:s23] =	ssyncset.done $0x0  }
0x57: {  	[sflag:s23] =	ssyncadd.s32 $0xFFFFC000  }
0x58: {  	[hbm4b:s13+s2] =	stream.linear.scatter [tilespmem:s21], [sflag:$0x3], $0x4000, $0x38;
	[tilespmem:$0x1BD80] =	vst v63  }
0x59: {  	_ =	swait.ge [sflag:s24], $0x4000  }
0x5a: {  	[sflag:s24] =	ssyncset.done $0x0  }
0x5b: {  	[sflag:s24] =	ssyncadd.s32 $0xFFFFC000  }
0x5c: {  	[tilespmem:s21], [sflag:$0x1] =	stream.indirect.gather [spmem:s1], $0x80, s3, s20, $0xb8;
	[tilespmem:$0x1BD80] =	vst v63  }
0x5d: {  	_ =	swait.ge [sflag:s26], $0x4000  }
0x5e: {  	[sflag:s26] =	ssyncset.done $0x0  }
0x5f: {  	[sflag:s26] =	ssyncadd.s32 $0xFFFFC000  }
0x60: {  	[hbm4b:s14+s2] =	stream.linear.scatter [tilespmem:s22], [sflag:$0x4], $0x4000, $0x38;
	[tilespmem:$0x1BD80] =	vst v63  }
0x61: {  	_ =	swait.ge [sflag:s28], $0x4000  }
0x62: {  	[sflag:s28] =	ssyncset.done $0x0  }
0x63: {  	[sflag:s28] =	ssyncadd.s32 $0xFFFFC000  }
0x64: {  	[tilespmem:s22], [sflag:$0x2] =	stream.indirect.gather [spmem:s1], $0x80, s4, s20, $0xb8;
	[tilespmem:$0x1BD80] =	vst v63  }
0x65: {  	_ =	swait.ge [sflag:s23], $0x4000  }
0x66: {  	[sflag:s23] =	ssyncset.done $0x0  }
0x67: {  	[sflag:s23] =	ssyncadd.s32 $0xFFFFC000  }
0x68: {  	[hbm4b:s15+s2] =	stream.linear.scatter [tilespmem:s21], [sflag:$0x3], $0x4000, $0x38;
	[tilespmem:$0x1BD80] =	vst v63  }
0x69: {  	_ =	swait.ge [sflag:s24], $0x4000  }
0x6a: {  	[sflag:s24] =	ssyncset.done $0x0  }
0x6b: {  	[sflag:s24] =	ssyncadd.s32 $0xFFFFC000  }
0x6c: {  	s6 =	sadd.s32 $0xFFFFFFFF, s6;
	_ =	swait.ge [sflag:s26], $0x4000  }
0x6d: {  	p2 =	sne.s32 s6, $0x0;
	[sflag:s26] =	ssyncset.done $0x0  }
.Ltmp1:
0x6e: {  	[sflag:s26] =	ssyncadd.s32 $0xFFFFC000;
	(pc) =	sbr.rel @!p2 .LBB2_7-.Ltmp1, $4  }
0x6f: {  	[hbm4b:s16+s2] =	stream.linear.scatter [tilespmem:s22], [sflag:$0x4], $0x4000, $0x38;
	[tilespmem:$0x1BD80] =	vst v63  }
0x70: {  	_ =	swait.ge [sflag:s28], $0x4000  }
0x71: {  	[sflag:s28] =	ssyncset.done $0x0  }
0x72: {  	[sflag:s28] =	ssyncadd.s32 $0xFFFFC000  }
.LBB2_1:
.Ltmp2:
0x73: {  	(pc) =	sbr.rel @p0 .LBB2_4-.Ltmp2, $1  }
0x74: {  	_ =	sdelay $0x3  }
.Ltmp3:
0x75: {  	(pc) =	sbr.rel @p1 .LBB2_6-.Ltmp3, $1  }
0x76: {  	_ =	sdelay $0x3  }
.Ltmp4:
0x77: {  	(pc) =	sbr.rel .LBB2_5-.Ltmp4, $4  }
0x78: {  	_ = 	snop  }
0x79: {  	s17 =	sshrl.u32 s1, $0x3;
	s25 =	rddreg [dreg:$0x6];
	s30 =	simm.s32 $0x1C05  }
0x7a: {  	[spmem:s17], [sflag:s30] =	dma.local [hbm:s25], $0x13880  }
0x7b: {  	s30 =	simm.s32 $0x200  }
.LBB2_7:
0x7c: {  	_ =	sfence.sel $0x180000  }
0x7d: {  	[bflag:$0x0] =	sbarrier.arrive $0xFFFF  }
0x7e: {  	_ =	strace $0x90000047  }
0x7f: {  	[bflag:$0x2] =	sbarrier.arrive $0xFFFF  }
0x80: {  	s0 =	rddreg [dreg:$0x4]  }
0x81: {  	s0 =	sadd.s32 @!p1 $0x100000, s0  }
0x82: {  	[sflag:s0] =	ssyncadd.tile.s32 @!p1 $0x1;
	_ =	shalt  }
.Lfunc_end2:
_tile_overlayer_lowered:
.L_overlay_start_2:
0x83: {  	(tag) =	ssettag $0x2  }
0x84: {  	s0 =	rddreg [dreg:$0x0];
	s2 =	stileid.u32  }
0x85: {  	s1 =	rddreg [dreg:$0x1];
	p0 =	sne.s32 s2, $0x0  }
0x86: {  	s3 =	rddreg [dreg:$0x2];
	[bflag:$0x3] =	sbarrier.arrive $0xFFFF;
	s2 =	simm.s32 @!p0 $0x1C05  }
0x87: {  	[timem:s3], [sflag:s2] =	dma.local @!p0 [hbm:s0], s1  }
0x88: {  	s0 =	simm.s32 @!p0 $0x5  }
0x89: {  	_ =	swait.ge @!p0 [sflag:s0], s1  }
0x8a: {  	s1 =	ssub.s32 @!p0 $0x0, s1;
	[sflag:s0] =	ssyncset.done @!p0 $0x0  }
0x8b: {  	[sflag:s0] =	ssyncadd.s32 @!p0 s1  }
0x8c: {  	[bflag:$0x3] =	sbarrier.arrive $0xFFFF  }
0x8d: {  	_ =	shalt  }

</sc_bundles>
